<compile_context>
chip_gen: v7x
topology: tpu7x:2x2x1
jax: 0.10.2.dev20260603
libtpu: 0.0.44.dev20260713+nightly
codegen_flags: <defaults>
</compile_context>

<pallas_src>
import functools

import jax
import jax.numpy as jnp
import numpy as np
from jax import lax
from jax.experimental import pallas as pl
from jax.experimental.pallas import tpu as pltpu
from jax.experimental.pallas import tpu_sc as plsc

_NC = 2
_NS = 16
_NW = _NC * _NS

_CHUNK = 128
_SCB = 512
_BM = 1024


def _fourier_np(t, n_harm):
    k = jnp.arange(1, n_harm + 1, dtype=jnp.float32)
    ang = 2.0 * jnp.pi * t[..., None].astype(jnp.float32) * k / 1440.0
    return jnp.concatenate([jnp.sin(ang), jnp.cos(ang)], axis=-1)


def _sc_gather_call(i_sta, i_st, i_en, i_sg, t_sta, t_time, t_sign):
    n_blk = i_sta.shape[0]
    sb = i_sta.shape[1] * i_sta.shape[2]
    n_chunks = i_sta.shape[1]
    n_tok = n_blk * sb
    base_blks = n_blk // _NW
    n_extra = n_blk - base_blks * _NW
    mesh = plsc.VectorSubcoreMesh(
        core_axis_name="c", subcore_axis_name="s",
        num_cores=_NC, num_subcores=_NS)
    itile = (i_sta.shape[1], i_sta.shape[2])

    @functools.partial(
        pl.kernel,
        out_type=jax.ShapeDtypeStruct((n_tok, 80), jnp.float32),
        mesh=mesh,
        scratch_types=[
            pltpu.VMEM(itile, jnp.int32),
            pltpu.VMEM(itile, jnp.int32),
            pltpu.VMEM(itile, jnp.int32),
            pltpu.VMEM(itile, jnp.int32),
            pltpu.VMEM((_SCB, 32), jnp.float32),
            pltpu.VMEM((_SCB, 16), jnp.float32),
            pltpu.VMEM((_SCB, 16), jnp.float32),
            pltpu.VMEM((_SCB, 16), jnp.float32),
            pltpu.SemaphoreType.DMA,
        ],
        compiler_params=pltpu.CompilerParams(use_tc_tiling_on_sc=False),
    )
    def sc_kernel(ista_h, ist_h, ien_h, isg_h, tsta_h, ttime_h, tsign_h,
                  out_h, iv_sta, iv_st, iv_en, iv_sg,
                  rv_sta, rv_st, rv_en, rv_sg, sem):
        wid = lax.axis_index("s") * _NC + lax.axis_index("c")
        n_mine = base_blks + jnp.where(wid < n_extra, 1, 0)

        def blk_body(k, carry):
            blk = wid + k * _NW
            pltpu.sync_copy(ista_h.at[blk], iv_sta)
            pltpu.sync_copy(ist_h.at[blk], iv_st)
            pltpu.sync_copy(ien_h.at[blk], iv_en)
            pltpu.sync_copy(isg_h.at[blk], iv_sg)
            cps = []
            for j in range(n_chunks):
                s = pl.ds(j * _CHUNK, _CHUNK)
                cps.append(pltpu.async_copy(
                    tsta_h.at[iv_sta.at[j]], rv_sta.at[s], sem))
                cps.append(pltpu.async_copy(
                    ttime_h.at[iv_st.at[j]], rv_st.at[s], sem))
                cps.append(pltpu.async_copy(
                    ttime_h.at[iv_en.at[j]], rv_en.at[s], sem))
                cps.append(pltpu.async_copy(
                    tsign_h.at[iv_sg.at[j]], rv_sg.at[s], sem))
            for cp in cps:
                cp.wait()
            rows = pl.ds(blk * sb, sb)
            pltpu.sync_copy(rv_sta, out_h.at[rows, pl.ds(0, 32)])
            pltpu.sync_copy(rv_st, out_h.at[rows, pl.ds(32, 16)])
            pltpu.sync_copy(rv_en, out_h.at[rows, pl.ds(48, 16)])
            pltpu.sync_copy(rv_sg, out_h.at[rows, pl.ds(64, 16)])
            return carry

        lax.fori_loop(0, n_mine, blk_body, 0)

    return sc_kernel(i_sta, i_st, i_en, i_sg, t_sta, t_time, t_sign)


def _tc_body(x_ref, sl_ref,
             wg_ref, slotw_ref, slot_s1_ref, slot_s2_ref,
             colsum_ref, c_ref, out_ref):
    x = x_ref[...]
    is1 = sl_ref[...] == 1
    s_sum = jnp.where(is1, slot_s1_ref[0:1, 1:2], slot_s1_ref[0:1, 0:1])
    s_ssq = jnp.where(is1, slot_s2_ref[0:1, 1:2], slot_s2_ref[0:1, 0:1])
    s1 = jnp.sum(x, axis=1, keepdims=True) + s_sum
    s2 = jnp.sum(x * x, axis=1, keepdims=True) + s_ssq
    mu = s1 * (1.0 / 88.0)
    var = s2 * (1.0 / 88.0) - mu * mu
    rstd = lax.rsqrt(var + 1e-5)

    p_sel = jnp.where(is1, slotw_ref[1:2, :], slotw_ref[0:1, :])
    xw = lax.dot_general(x, wg_ref[...], (((1,), (0,)), ((), ())),
                         precision=lax.Precision.HIGHEST) + p_sel
    out_ref[...] = rstd * xw - (rstd * mu) * colsum_ref[...] + c_ref[...]


def _full(shape):
    return pl.BlockSpec(shape, lambda i: (0,) * len(shape))


def _tc_call(x, sl, wg80, slotw, slot_s1, slot_s2, colsum, c):
    n = x.shape[0]
    grid = (n // _BM,)
    return pl.pallas_call(
        _tc_body,
        grid=grid,
        in_specs=[
            pl.BlockSpec((_BM, 80), lambda i: (i, 0)),
            pl.BlockSpec((_BM, 1), lambda i: (i, 0)),
            _full((80, 128)), _full((2, 128)),
            _full((1, 2)), _full((1, 2)), _full((1, 128)), _full((1, 128)),
        ],
        out_specs=pl.BlockSpec((_BM, 128), lambda i: (i, 0)),
        out_shape=jax.ShapeDtypeStruct((n, 128), jnp.float32),
    )(x, sl, wg80, slotw, slot_s1, slot_s2, colsum, c)


def kernel(crew_start_station, crew_assignable_start_min,
           crew_assignable_end_min, crew_slot_label, crew_signoff_limit_min,
           station_table, station_time_from_A, W_tp, b_tp, W_time, b_time,
           slot_table, W_sign, b_sign, ln_g, ln_b, W_proj, b_proj):
    B, L = crew_start_station.shape
    n = B * L

    tp_rows = _fourier_np(station_time_from_A, 4) @ W_tp + b_tp
    t_sta = jnp.concatenate([station_table, tp_rows], axis=1)
    minutes = jnp.arange(1440, dtype=jnp.float32)
    t_time = _fourier_np(minutes, 6) @ W_time + b_time
    t_sign = _fourier_np(minutes, 4) @ W_sign + b_sign

    wg = ln_g[:, None] * W_proj
    c = (ln_b @ W_proj + b_proj)[None, :]
    wg80 = jnp.concatenate([wg[0:64], wg[72:88]], axis=0)
    slotw = slot_table @ wg[64:72]
    slot_s1 = jnp.sum(slot_table, axis=1)[None, :]
    slot_s2 = jnp.sum(slot_table * slot_table, axis=1)[None, :]
    colsum = jnp.sum(wg, axis=0)[None, :]

    shp = (n // _SCB, _SCB // _CHUNK, _CHUNK)
    i_sta = crew_start_station.astype(jnp.int32).reshape(shp)
    i_st = crew_assignable_start_min.astype(jnp.int32).reshape(shp)
    i_en = crew_assignable_end_min.astype(jnp.int32).reshape(shp)
    i_sg = crew_signoff_limit_min.astype(jnp.int32).reshape(shp)
    x80 = _sc_gather_call(i_sta, i_st, i_en, i_sg, t_sta, t_time, t_sign)

    sl = crew_slot_label.astype(jnp.int32).reshape(n, 1)
    out = _tc_call(x80, sl, wg80, slotw, slot_s1, slot_s2, colsum, c)
    return out.reshape(B, L, 128)

# --- scband reference (transcript-rebuilt; emitter-appended) ---
"""Pipeline reference for scband-crew-static-tokenizer-7052336300282 (READ-ONLY COPY).

The authoritative reference and input builder live on the scoring server;
editing this copy changes nothing except your own understanding.
"""

import jax, jax.numpy as jnp
import numpy as np

NUM_STATIONS = 1000
D_STATION_ID = 16
D_TIMEPOS = 16
D_WINDOW = 16
D_SLOT = 8
D_SIGNOFF = 16
D_MODEL = 128
IN_DIM = D_STATION_ID + D_TIMEPOS + 2 * D_WINDOW + D_SLOT + D_SIGNOFF  # 88
B, L = 1024, 200


def _fourier(t, period, n_harm):
    k = jnp.arange(1, n_harm + 1, dtype=jnp.float32)
    ang = 2.0 * jnp.pi * t[..., None].astype(jnp.float32) * k / period
    return jnp.concatenate([jnp.sin(ang), jnp.cos(ang)], axis=-1)


def setup_inputs(seed: int = 0) -> dict:
    key = jax.random.key(seed)
    ks = [jax.random.fold_in(key, i) for i in range(20)]
    inp = {}
    inp['crew_start_station'] = jax.random.randint(ks[0], (B, L), 0, NUM_STATIONS, dtype=jnp.int64 if jax.config.jax_enable_x64 else jnp.int32)
    inp['crew_assignable_start_min'] = jax.random.randint(ks[1], (B, L), 0, 1440)
    inp['crew_assignable_end_min'] = jax.random.randint(ks[2], (B, L), 0, 1440)
    inp['crew_slot_label'] = jax.random.randint(ks[3], (B, L), 0, 2)
    inp['crew_signoff_limit_min'] = jax.random.randint(ks[4], (B, L), 0, 1440)
    # parameters / buffers
    inp['station_table'] = jax.random.normal(ks[5], (NUM_STATIONS, D_STATION_ID), jnp.float32) * 0.02
    inp['station_time_from_A'] = jax.random.uniform(ks[6], (NUM_STATIONS,), jnp.float32) * 600.0
    inp['W_tp'] = jax.random.normal(ks[7], (8, D_TIMEPOS), jnp.float32) * 0.1   # 2*4 harmonics
    inp['b_tp'] = jnp.zeros((D_TIMEPOS,), jnp.float32)
    inp['W_time'] = jax.random.normal(ks[8], (12, D_WINDOW), jnp.float32) * 0.1  # 2*6 harmonics
    inp['b_time'] = jnp.zeros((D_WINDOW,), jnp.float32)
    inp['slot_table'] = jax.random.normal(ks[9], (2, D_SLOT), jnp.float32) * 0.02
    inp['W_sign'] = jax.random.normal(ks[10], (8, D_SIGNOFF), jnp.float32) * 0.1  # 2*4 harmonics
    inp['b_sign'] = jnp.zeros((D_SIGNOFF,), jnp.float32)
    inp['ln_g'] = jnp.ones((IN_DIM,), jnp.float32)
    inp['ln_b'] = jnp.zeros((IN_DIM,), jnp.float32)
    inp['W_proj'] = jax.random.normal(ks[11], (IN_DIM, D_MODEL), jnp.float32) * (1.0 / np.sqrt(IN_DIM))
    inp['b_proj'] = jnp.zeros((D_MODEL,), jnp.float32)
    return inp


def reference(crew_start_station, crew_assignable_start_min, crew_assignable_end_min,
              crew_slot_label, crew_signoff_limit_min,
              station_table, station_time_from_A, W_tp, b_tp, W_time, b_time,
              slot_table, W_sign, b_sign, ln_g, ln_b, W_proj, b_proj):
    start_station = crew_start_station
    start_min = crew_assignable_start_min % 1440
    end_min = crew_assignable_end_min % 1440
    slot_label = crew_slot_label
    signoff_lim = crew_signoff_limit_min % 1440

    # StationEmbedding: id embedding gather + Fourier encoding of time-from-A buffer
    e_id = jnp.take(station_table, start_station, axis=0)                 # [B, L, d_id]
    t_from_A = jnp.take(station_time_from_A, start_station, axis=0)       # [B, L]
    e_tp = _fourier(t_from_A, 1440.0, 4) @ W_tp + b_tp                    # [B, L, d_timepos]
    e_station = jnp.concatenate([e_id, e_tp], axis=-1)

    # TimeFourierEncoding(d_out=d_window_time, period=1440, n_harmonics=6)
    e_start = _fourier(start_min, 1440.0, 6) @ W_time + b_time
    e_end = _fourier(end_min, 1440.0, 6) @ W_time + b_time

    e_slot = jnp.take(slot_table, slot_label, axis=0)

    # signoff encoding (n_harmonics=4)
    e_sign = _fourier(signoff_lim, 1440.0, 4) @ W_sign + b_sign

    concat = jnp.concatenate([e_station, e_start, e_end, e_slot, e_sign], axis=-1)  # [B, L, 88]

    mu = jnp.mean(concat, axis=-1, keepdims=True)
    var = jnp.mean((concat - mu) ** 2, axis=-1, keepdims=True)
    xn = (concat - mu) / jnp.sqrt(var + 1e-5)
    xn = xn * ln_g + ln_b

    S = xn @ W_proj + b_proj                                              # [B, L, d_model]
    return S


if False:  # reference __main__ guard neutralized (emitter)
    out = reference(**setup_inputs())
    print(out.shape, out.dtype)

if __name__ == "__main__":
    import jax
    _d = setup_inputs()
    print(jax.jit(kernel)(*tuple(_d.values())))

</pallas_src>

<mosaic_0001>
#map = affine_map<(d0, d1) -> (0, 0, 0)>
#map1 = affine_map<(d0, d1) -> (0, 0)>
module attributes {stable_mosaic.version = 14 : i64} {
  func.func @sc_kernel(%arg0: i32, %arg1: i32, %arg2: memref<400x4x128xi32, #tpu.memory_space<hbm>>, %arg3: memref<400x4x128xi32, #tpu.memory_space<hbm>>, %arg4: memref<400x4x128xi32, #tpu.memory_space<hbm>>, %arg5: memref<400x4x128xi32, #tpu.memory_space<hbm>>, %arg6: memref<1000x32xf32, #tpu.memory_space<hbm>>, %arg7: memref<1440x16xf32, #tpu.memory_space<hbm>>, %arg8: memref<1440x16xf32, #tpu.memory_space<hbm>>, %arg9: memref<204800x80xf32, #tpu.memory_space<hbm>>, %arg10: memref<4x128xi32, #tpu.memory_space<vmem>>, %arg11: memref<4x128xi32, #tpu.memory_space<vmem>>, %arg12: memref<4x128xi32, #tpu.memory_space<vmem>>, %arg13: memref<4x128xi32, #tpu.memory_space<vmem>>, %arg14: memref<512x32xf32, #tpu.memory_space<vmem>>, %arg15: memref<512x16xf32, #tpu.memory_space<vmem>>, %arg16: memref<512x16xf32, #tpu.memory_space<vmem>>, %arg17: memref<512x16xf32, #tpu.memory_space<vmem>>, %arg18: memref<!tpu.dma_semaphore, #tpu.memory_space<semaphore_mem>>) attributes {dimension_semantics = [#tpu.dimension_semantics<core_parallel>, #tpu.dimension_semantics<subcore_parallel>], iteration_bounds = array<i64: 2, 16>, scalar_prefetch = 0 : i64, scratch_operands = 9 : i64, tpu.core_type = #tpu.core_type<sc_vector_subcore>, window_params = [{transform_indices = #map}, {transform_indices = #map}, {transform_indices = #map}, {transform_indices = #map}, {transform_indices = #map1}, {transform_indices = #map1}, {transform_indices = #map1}, {transform_indices = #map1}]} {
    %mul3A = arith.constant 2 : i32
    %mul3A_0 = arith.muli %arg1, %mul3A : i32
    %add3A = arith.addi %mul3A_0, %arg0 : i32
    %lt3A = arith.constant 16 : i32
    %lt3A_1 = arith.cmpi slt, %add3A, %lt3A : i32
    %jit3A = arith.constant 1 : i32
    %jit3A_2 = arith.constant 0 : i32
    %select_n3A = arith.select %lt3A_1, %jit3A, %jit3A_2 : i32
    %add3A_3 = arith.constant 12 : i32
    %add3A_4 = arith.addi %add3A_3, %select_n3A : i32
    %while3A = arith.constant 0 : i32
    %while3A_5 = arith.constant 0 : i32
    %while3A_6 = arith.subi %add3A_4, %while3A_5 : i32
    %while3A_7 = arith.addi %while3A_5, %while3A_6 : i32
    %while3A_8 = arith.constant 1 : i32
    %while3A_9 = arith.divsi %while3A_6, %while3A_8 : i32
    %while3A_10 = arith.muli %while3A_9, %while3A_8 : i32
    %while3A_11 = arith.addi %while3A_5, %while3A_10 : i32
    %while3A_12 = arith.constant 1 : i32
    scf.for %while3A_14 = %while3A_5 to %while3A_11 step %while3A_12  : i32 {
      %mul3A_15 = arith.constant 32 : i32
      %mul3A_16 = arith.muli %while3A_14, %mul3A_15 : i32
      %add3A_17 = arith.addi %add3A, %mul3A_16 : i32
      "tpu.region"() ({
        %run_scoped3A = tpu.sem_alloc : memref<!tpu.dma_semaphore, #tpu.memory_space<semaphore_mem>>
        %dma_start3A_338 = arith.constant 0 : i32
        %dma_start3A_339 = arith.constant 0 : i32
        %dma_start3A_340 = tpu.memref_slice %arg2[%add3A_17, %dma_start3A_338, %dma_start3A_339] : memref<400x4x128xi32, #tpu.memory_space<hbm>> -> memref<1x4x128xi32, #tpu.memory_space<hbm>>
        %dma_start3A_341 = tpu.memref_squeeze %dma_start3A_340 : memref<1x4x128xi32, #tpu.memory_space<hbm>> -> memref<4x128xi32, #tpu.memory_space<hbm>>
        %dma_start3A_342 = arith.constant 0 : i32
        %dma_start3A_343 = arith.constant 0 : i32
        %dma_start3A_344 = tpu.memref_slice %arg2[%add3A_17, %dma_start3A_342, %dma_start3A_343] : memref<400x4x128xi32, #tpu.memory_space<hbm>> -> memref<1x4x128xi32, #tpu.memory_space<hbm>>
        %dma_start3A_345 = tpu.memref_squeeze %dma_start3A_344 : memref<1x4x128xi32, #tpu.memory_space<hbm>> -> memref<4x128xi32, #tpu.memory_space<hbm>>
        tpu.enqueue_dma source(%dma_start3A_345 : memref<4x128xi32, #tpu.memory_space<hbm>>) target(%arg10 : memref<4x128xi32, #tpu.memory_space<vmem>>) target_semaphore(%run_scoped3A : memref<!tpu.dma_semaphore, #tpu.memory_space<semaphore_mem>>)
        %dma_wait3A_346 = arith.constant 0 : i32
        %dma_wait3A_347 = arith.constant 0 : i32
        %dma_wait3A_348 = tpu.memref_slice %arg2[%add3A_17, %dma_wait3A_346, %dma_wait3A_347] : memref<400x4x128xi32, #tpu.memory_space<hbm>> -> memref<1x4x128xi32, #tpu.memory_space<hbm>>
        %dma_wait3A_349 = tpu.memref_squeeze %dma_wait3A_348 : memref<1x4x128xi32, #tpu.memory_space<hbm>> -> memref<4x128xi32, #tpu.memory_space<hbm>>
        %dma_wait3A_350 = arith.constant 0 : i32
        %dma_wait3A_351 = arith.constant 0 : i32
        %dma_wait3A_352 = tpu.memref_slice %arg2[%add3A_17, %dma_wait3A_350, %dma_wait3A_351] : memref<400x4x128xi32, #tpu.memory_space<hbm>> -> memref<1x4x128xi32, #tpu.memory_space<hbm>>
        %dma_wait3A_353 = tpu.memref_squeeze %dma_wait3A_352 : memref<1x4x128xi32, #tpu.memory_space<hbm>> -> memref<4x128xi32, #tpu.memory_space<hbm>>
        tpu.wait_dma2 semaphore(%run_scoped3A : memref<!tpu.dma_semaphore, #tpu.memory_space<semaphore_mem>>) src(%dma_wait3A_353 : memref<4x128xi32, #tpu.memory_space<hbm>>) dst(%arg10 : memref<4x128xi32, #tpu.memory_space<vmem>>)
        tpu.yield
      }) : () -> ()
      "tpu.region"() ({
        %run_scoped3A = tpu.sem_alloc : memref<!tpu.dma_semaphore, #tpu.memory_space<semaphore_mem>>
        %dma_start3A_338 = arith.constant 0 : i32
        %dma_start3A_339 = arith.constant 0 : i32
        %dma_start3A_340 = tpu.memref_slice %arg3[%add3A_17, %dma_start3A_338, %dma_start3A_339] : memref<400x4x128xi32, #tpu.memory_space<hbm>> -> memref<1x4x128xi32, #tpu.memory_space<hbm>>
        %dma_start3A_341 = tpu.memref_squeeze %dma_start3A_340 : memref<1x4x128xi32, #tpu.memory_space<hbm>> -> memref<4x128xi32, #tpu.memory_space<hbm>>
        %dma_start3A_342 = arith.constant 0 : i32
        %dma_start3A_343 = arith.constant 0 : i32
        %dma_start3A_344 = tpu.memref_slice %arg3[%add3A_17, %dma_start3A_342, %dma_start3A_343] : memref<400x4x128xi32, #tpu.memory_space<hbm>> -> memref<1x4x128xi32, #tpu.memory_space<hbm>>
        %dma_start3A_345 = tpu.memref_squeeze %dma_start3A_344 : memref<1x4x128xi32, #tpu.memory_space<hbm>> -> memref<4x128xi32, #tpu.memory_space<hbm>>
        tpu.enqueue_dma source(%dma_start3A_345 : memref<4x128xi32, #tpu.memory_space<hbm>>) target(%arg11 : memref<4x128xi32, #tpu.memory_space<vmem>>) target_semaphore(%run_scoped3A : memref<!tpu.dma_semaphore, #tpu.memory_space<semaphore_mem>>)
        %dma_wait3A_346 = arith.constant 0 : i32
        %dma_wait3A_347 = arith.constant 0 : i32
        %dma_wait3A_348 = tpu.memref_slice %arg3[%add3A_17, %dma_wait3A_346, %dma_wait3A_347] : memref<400x4x128xi32, #tpu.memory_space<hbm>> -> memref<1x4x128xi32, #tpu.memory_space<hbm>>
        %dma_wait3A_349 = tpu.memref_squeeze %dma_wait3A_348 : memref<1x4x128xi32, #tpu.memory_space<hbm>> -> memref<4x128xi32, #tpu.memory_space<hbm>>
        %dma_wait3A_350 = arith.constant 0 : i32
        %dma_wait3A_351 = arith.constant 0 : i32
        %dma_wait3A_352 = tpu.memref_slice %arg3[%add3A_17, %dma_wait3A_350, %dma_wait3A_351] : memref<400x4x128xi32, #tpu.memory_space<hbm>> -> memref<1x4x128xi32, #tpu.memory_space<hbm>>
        %dma_wait3A_353 = tpu.memref_squeeze %dma_wait3A_352 : memref<1x4x128xi32, #tpu.memory_space<hbm>> -> memref<4x128xi32, #tpu.memory_space<hbm>>
        tpu.wait_dma2 semaphore(%run_scoped3A : memref<!tpu.dma_semaphore, #tpu.memory_space<semaphore_mem>>) src(%dma_wait3A_353 : memref<4x128xi32, #tpu.memory_space<hbm>>) dst(%arg11 : memref<4x128xi32, #tpu.memory_space<vmem>>)
        tpu.yield
      }) : () -> ()
      "tpu.region"() ({
        %run_scoped3A = tpu.sem_alloc : memref<!tpu.dma_semaphore, #tpu.memory_space<semaphore_mem>>
        %dma_start3A_338 = arith.constant 0 : i32
        %dma_start3A_339 = arith.constant 0 : i32
        %dma_start3A_340 = tpu.memref_slice %arg4[%add3A_17, %dma_start3A_338, %dma_start3A_339] : memref<400x4x128xi32, #tpu.memory_space<hbm>> -> memref<1x4x128xi32, #tpu.memory_space<hbm>>
        %dma_start3A_341 = tpu.memref_squeeze %dma_start3A_340 : memref<1x4x128xi32, #tpu.memory_space<hbm>> -> memref<4x128xi32, #tpu.memory_space<hbm>>
        %dma_start3A_342 = arith.constant 0 : i32
        %dma_start3A_343 = arith.constant 0 : i32
        %dma_start3A_344 = tpu.memref_slice %arg4[%add3A_17, %dma_start3A_342, %dma_start3A_343] : memref<400x4x128xi32, #tpu.memory_space<hbm>> -> memref<1x4x128xi32, #tpu.memory_space<hbm>>
        %dma_start3A_345 = tpu.memref_squeeze %dma_start3A_344 : memref<1x4x128xi32, #tpu.memory_space<hbm>> -> memref<4x128xi32, #tpu.memory_space<hbm>>
        tpu.enqueue_dma source(%dma_start3A_345 : memref<4x128xi32, #tpu.memory_space<hbm>>) target(%arg12 : memref<4x128xi32, #tpu.memory_space<vmem>>) target_semaphore(%run_scoped3A : memref<!tpu.dma_semaphore, #tpu.memory_space<semaphore_mem>>)
        %dma_wait3A_346 = arith.constant 0 : i32
        %dma_wait3A_347 = arith.constant 0 : i32
        %dma_wait3A_348 = tpu.memref_slice %arg4[%add3A_17, %dma_wait3A_346, %dma_wait3A_347] : memref<400x4x128xi32, #tpu.memory_space<hbm>> -> memref<1x4x128xi32, #tpu.memory_space<hbm>>
        %dma_wait3A_349 = tpu.memref_squeeze %dma_wait3A_348 : memref<1x4x128xi32, #tpu.memory_space<hbm>> -> memref<4x128xi32, #tpu.memory_space<hbm>>
        %dma_wait3A_350 = arith.constant 0 : i32
        %dma_wait3A_351 = arith.constant 0 : i32
        %dma_wait3A_352 = tpu.memref_slice %arg4[%add3A_17, %dma_wait3A_350, %dma_wait3A_351] : memref<400x4x128xi32, #tpu.memory_space<hbm>> -> memref<1x4x128xi32, #tpu.memory_space<hbm>>
        %dma_wait3A_353 = tpu.memref_squeeze %dma_wait3A_352 : memref<1x4x128xi32, #tpu.memory_space<hbm>> -> memref<4x128xi32, #tpu.memory_space<hbm>>
        tpu.wait_dma2 semaphore(%run_scoped3A : memref<!tpu.dma_semaphore, #tpu.memory_space<semaphore_mem>>) src(%dma_wait3A_353 : memref<4x128xi32, #tpu.memory_space<hbm>>) dst(%arg12 : memref<4x128xi32, #tpu.memory_space<vmem>>)
        tpu.yield
      }) : () -> ()
      "tpu.region"() ({
        %run_scoped3A = tpu.sem_alloc : memref<!tpu.dma_semaphore, #tpu.memory_space<semaphore_mem>>
        %dma_start3A_338 = arith.constant 0 : i32
        %dma_start3A_339 = arith.constant 0 : i32
        %dma_start3A_340 = tpu.memref_slice %arg5[%add3A_17, %dma_start3A_338, %dma_start3A_339] : memref<400x4x128xi32, #tpu.memory_space<hbm>> -> memref<1x4x128xi32, #tpu.memory_space<hbm>>
        %dma_start3A_341 = tpu.memref_squeeze %dma_start3A_340 : memref<1x4x128xi32, #tpu.memory_space<hbm>> -> memref<4x128xi32, #tpu.memory_space<hbm>>
        %dma_start3A_342 = arith.constant 0 : i32
        %dma_start3A_343 = arith.constant 0 : i32
        %dma_start3A_344 = tpu.memref_slice %arg5[%add3A_17, %dma_start3A_342, %dma_start3A_343] : memref<400x4x128xi32, #tpu.memory_space<hbm>> -> memref<1x4x128xi32, #tpu.memory_space<hbm>>
        %dma_start3A_345 = tpu.memref_squeeze %dma_start3A_344 : memref<1x4x128xi32, #tpu.memory_space<hbm>> -> memref<4x128xi32, #tpu.memory_space<hbm>>
        tpu.enqueue_dma source(%dma_start3A_345 : memref<4x128xi32, #tpu.memory_space<hbm>>) target(%arg13 : memref<4x128xi32, #tpu.memory_space<vmem>>) target_semaphore(%run_scoped3A : memref<!tpu.dma_semaphore, #tpu.memory_space<semaphore_mem>>)
        %dma_wait3A_346 = arith.constant 0 : i32
        %dma_wait3A_347 = arith.constant 0 : i32
        %dma_wait3A_348 = tpu.memref_slice %arg5[%add3A_17, %dma_wait3A_346, %dma_wait3A_347] : memref<400x4x128xi32, #tpu.memory_space<hbm>> -> memref<1x4x128xi32, #tpu.memory_space<hbm>>
        %dma_wait3A_349 = tpu.memref_squeeze %dma_wait3A_348 : memref<1x4x128xi32, #tpu.memory_space<hbm>> -> memref<4x128xi32, #tpu.memory_space<hbm>>
        %dma_wait3A_350 = arith.constant 0 : i32
        %dma_wait3A_351 = arith.constant 0 : i32
        %dma_wait3A_352 = tpu.memref_slice %arg5[%add3A_17, %dma_wait3A_350, %dma_wait3A_351] : memref<400x4x128xi32, #tpu.memory_space<hbm>> -> memref<1x4x128xi32, #tpu.memory_space<hbm>>
        %dma_wait3A_353 = tpu.memref_squeeze %dma_wait3A_352 : memref<1x4x128xi32, #tpu.memory_space<hbm>> -> memref<4x128xi32, #tpu.memory_space<hbm>>
        tpu.wait_dma2 semaphore(%run_scoped3A : memref<!tpu.dma_semaphore, #tpu.memory_space<semaphore_mem>>) src(%dma_wait3A_353 : memref<4x128xi32, #tpu.memory_space<hbm>>) dst(%arg13 : memref<4x128xi32, #tpu.memory_space<vmem>>)
        tpu.yield
      }) : () -> ()
      %dma_start3A = arith.constant 0 : i32
      %dma_start3A_18 = arith.constant 0 : i32
      %dma_start3A_19 = arith.constant 0 : i32
      %dma_start3A_20 = tpu.memref_slice %arg14[%dma_start3A_18, %dma_start3A_19] : memref<512x32xf32, #tpu.memory_space<vmem>> -> memref<128x32xf32, #tpu.memory_space<vmem>>
      %dma_start3A_21 = arith.constant 0 : i32
      %dma_start3A_22 = tpu.memref_slice %arg10[%dma_start3A, %dma_start3A_21] : memref<4x128xi32, #tpu.memory_space<vmem>> -> memref<1x128xi32, #tpu.memory_space<vmem>>
      %dma_start3A_23 = tpu.memref_squeeze %dma_start3A_22 : memref<1x128xi32, #tpu.memory_space<vmem>> -> memref<128xi32, #tpu.memory_space<vmem>>
      %dma_start3A_24 = arith.constant 0 : i32
      %dma_start3A_25 = arith.constant 0 : i32
      %dma_start3A_26 = tpu.memref_slice %arg6[%dma_start3A_24, %dma_start3A_25] : memref<1000x32xf32, #tpu.memory_space<hbm>> -> memref<1000x32xf32, #tpu.memory_space<hbm>>
      tpu.enqueue_indirect_dma source(%dma_start3A_26 : memref<1000x32xf32, #tpu.memory_space<hbm>>) target(%dma_start3A_20 : memref<128x32xf32, #tpu.memory_space<vmem>>) offsets(%dma_start3A_23 : memref<128xi32, #tpu.memory_space<vmem>>) semaphore(%arg18 : memref<!tpu.dma_semaphore, #tpu.memory_space<semaphore_mem>>)
      %dma_start3A_27 = arith.constant 0 : i32
      %dma_start3A_28 = arith.constant 0 : i32
      %dma_start3A_29 = arith.constant 0 : i32
      %dma_start3A_30 = tpu.memref_slice %arg15[%dma_start3A_28, %dma_start3A_29] : memref<512x16xf32, #tpu.memory_space<vmem>> -> memref<128x16xf32, #tpu.memory_space<vmem>>
      %dma_start3A_31 = arith.constant 0 : i32
      %dma_start3A_32 = tpu.memref_slice %arg11[%dma_start3A_27, %dma_start3A_31] : memref<4x128xi32, #tpu.memory_space<vmem>> -> memref<1x128xi32, #tpu.memory_space<vmem>>
      %dma_start3A_33 = tpu.memref_squeeze %dma_start3A_32 : memref<1x128xi32, #tpu.memory_space<vmem>> -> memref<128xi32, #tpu.memory_space<vmem>>
      %dma_start3A_34 = arith.constant 0 : i32
      %dma_start3A_35 = arith.constant 0 : i32
      %dma_start3A_36 = tpu.memref_slice %arg7[%dma_start3A_34, %dma_start3A_35] : memref<1440x16xf32, #tpu.memory_space<hbm>> -> memref<1440x16xf32, #tpu.memory_space<hbm>>
      tpu.enqueue_indirect_dma source(%dma_start3A_36 : memref<1440x16xf32, #tpu.memory_space<hbm>>) target(%dma_start3A_30 : memref<128x16xf32, #tpu.memory_space<vmem>>) offsets(%dma_start3A_33 : memref<128xi32, #tpu.memory_space<vmem>>) semaphore(%arg18 : memref<!tpu.dma_semaphore, #tpu.memory_space<semaphore_mem>>)
      %dma_start3A_37 = arith.constant 0 : i32
      %dma_start3A_38 = arith.constant 0 : i32
      %dma_start3A_39 = arith.constant 0 : i32
      %dma_start3A_40 = tpu.memref_slice %arg16[%dma_start3A_38, %dma_start3A_39] : memref<512x16xf32, #tpu.memory_space<vmem>> -> memref<128x16xf32, #tpu.memory_space<vmem>>
      %dma_start3A_41 = arith.constant 0 : i32
      %dma_start3A_42 = tpu.memref_slice %arg12[%dma_start3A_37, %dma_start3A_41] : memref<4x128xi32, #tpu.memory_space<vmem>> -> memref<1x128xi32, #tpu.memory_space<vmem>>
      %dma_start3A_43 = tpu.memref_squeeze %dma_start3A_42 : memref<1x128xi32, #tpu.memory_space<vmem>> -> memref<128xi32, #tpu.memory_space<vmem>>
      %dma_start3A_44 = arith.constant 0 : i32
      %dma_start3A_45 = arith.constant 0 : i32
      %dma_start3A_46 = tpu.memref_slice %arg7[%dma_start3A_44, %dma_start3A_45] : memref<1440x16xf32, #tpu.memory_space<hbm>> -> memref<1440x16xf32, #tpu.memory_space<hbm>>
      tpu.enqueue_indirect_dma source(%dma_start3A_46 : memref<1440x16xf32, #tpu.memory_space<hbm>>) target(%dma_start3A_40 : memref<128x16xf32, #tpu.memory_space<vmem>>) offsets(%dma_start3A_43 : memref<128xi32, #tpu.memory_space<vmem>>) semaphore(%arg18 : memref<!tpu.dma_semaphore, #tpu.memory_space<semaphore_mem>>)
      %dma_start3A_47 = arith.constant 0 : i32
      %dma_start3A_48 = arith.constant 0 : i32
      %dma_start3A_49 = arith.constant 0 : i32
      %dma_start3A_50 = tpu.memref_slice %arg17[%dma_start3A_48, %dma_start3A_49] : memref<512x16xf32, #tpu.memory_space<vmem>> -> memref<128x16xf32, #tpu.memory_space<vmem>>
      %dma_start3A_51 = arith.constant 0 : i32
      %dma_start3A_52 = tpu.memref_slice %arg13[%dma_start3A_47, %dma_start3A_51] : memref<4x128xi32, #tpu.memory_space<vmem>> -> memref<1x128xi32, #tpu.memory_space<vmem>>
      %dma_start3A_53 = tpu.memref_squeeze %dma_start3A_52 : memref<1x128xi32, #tpu.memory_space<vmem>> -> memref<128xi32, #tpu.memory_space<vmem>>
      %dma_start3A_54 = arith.constant 0 : i32
      %dma_start3A_55 = arith.constant 0 : i32
      %dma_start3A_56 = tpu.memref_slice %arg8[%dma_start3A_54, %dma_start3A_55] : memref<1440x16xf32, #tpu.memory_space<hbm>> -> memref<1440x16xf32, #tpu.memory_space<hbm>>
      tpu.enqueue_indirect_dma source(%dma_start3A_56 : memref<1440x16xf32, #tpu.memory_space<hbm>>) target(%dma_start3A_50 : memref<128x16xf32, #tpu.memory_space<vmem>>) offsets(%dma_start3A_53 : memref<128xi32, #tpu.memory_space<vmem>>) semaphore(%arg18 : memref<!tpu.dma_semaphore, #tpu.memory_space<semaphore_mem>>)
      %dma_start3A_57 = arith.constant 1 : i32
      %dma_start3A_58 = arith.constant 128 : i32
      %dma_start3A_59 = arith.constant 0 : i32
      %dma_start3A_60 = tpu.memref_slice %arg14[%dma_start3A_58, %dma_start3A_59] : memref<512x32xf32, #tpu.memory_space<vmem>> -> memref<128x32xf32, #tpu.memory_space<vmem>>
      %dma_start3A_61 = arith.constant 0 : i32
      %dma_start3A_62 = tpu.memref_slice %arg10[%dma_start3A_57, %dma_start3A_61] : memref<4x128xi32, #tpu.memory_space<vmem>> -> memref<1x128xi32, #tpu.memory_space<vmem>>
      %dma_start3A_63 = tpu.memref_squeeze %dma_start3A_62 : memref<1x128xi32, #tpu.memory_space<vmem>> -> memref<128xi32, #tpu.memory_space<vmem>>
      %dma_start3A_64 = arith.constant 0 : i32
      %dma_start3A_65 = arith.constant 0 : i32
      %dma_start3A_66 = tpu.memref_slice %arg6[%dma_start3A_64, %dma_start3A_65] : memref<1000x32xf32, #tpu.memory_space<hbm>> -> memref<1000x32xf32, #tpu.memory_space<hbm>>
      tpu.enqueue_indirect_dma source(%dma_start3A_66 : memref<1000x32xf32, #tpu.memory_space<hbm>>) target(%dma_start3A_60 : memref<128x32xf32, #tpu.memory_space<vmem>>) offsets(%dma_start3A_63 : memref<128xi32, #tpu.memory_space<vmem>>) semaphore(%arg18 : memref<!tpu.dma_semaphore, #tpu.memory_space<semaphore_mem>>)
      %dma_start3A_67 = arith.constant 1 : i32
      %dma_start3A_68 = arith.constant 128 : i32
      %dma_start3A_69 = arith.constant 0 : i32
      %dma_start3A_70 = tpu.memref_slice %arg15[%dma_start3A_68, %dma_start3A_69] : memref<512x16xf32, #tpu.memory_space<vmem>> -> memref<128x16xf32, #tpu.memory_space<vmem>>
      %dma_start3A_71 = arith.constant 0 : i32
      %dma_start3A_72 = tpu.memref_slice %arg11[%dma_start3A_67, %dma_start3A_71] : memref<4x128xi32, #tpu.memory_space<vmem>> -> memref<1x128xi32, #tpu.memory_space<vmem>>
      %dma_start3A_73 = tpu.memref_squeeze %dma_start3A_72 : memref<1x128xi32, #tpu.memory_space<vmem>> -> memref<128xi32, #tpu.memory_space<vmem>>
      %dma_start3A_74 = arith.constant 0 : i32
      %dma_start3A_75 = arith.constant 0 : i32
      %dma_start3A_76 = tpu.memref_slice %arg7[%dma_start3A_74, %dma_start3A_75] : memref<1440x16xf32, #tpu.memory_space<hbm>> -> memref<1440x16xf32, #tpu.memory_space<hbm>>
      tpu.enqueue_indirect_dma source(%dma_start3A_76 : memref<1440x16xf32, #tpu.memory_space<hbm>>) target(%dma_start3A_70 : memref<128x16xf32, #tpu.memory_space<vmem>>) offsets(%dma_start3A_73 : memref<128xi32, #tpu.memory_space<vmem>>) semaphore(%arg18 : memref<!tpu.dma_semaphore, #tpu.memory_space<semaphore_mem>>)
      %dma_start3A_77 = arith.constant 1 : i32
      %dma_start3A_78 = arith.constant 128 : i32
      %dma_start3A_79 = arith.constant 0 : i32
      %dma_start3A_80 = tpu.memref_slice %arg16[%dma_start3A_78, %dma_start3A_79] : memref<512x16xf32, #tpu.memory_space<vmem>> -> memref<128x16xf32, #tpu.memory_space<vmem>>
      %dma_start3A_81 = arith.constant 0 : i32
      %dma_start3A_82 = tpu.memref_slice %arg12[%dma_start3A_77, %dma_start3A_81] : memref<4x128xi32, #tpu.memory_space<vmem>> -> memref<1x128xi32, #tpu.memory_space<vmem>>
      %dma_start3A_83 = tpu.memref_squeeze %dma_start3A_82 : memref<1x128xi32, #tpu.memory_space<vmem>> -> memref<128xi32, #tpu.memory_space<vmem>>
      %dma_start3A_84 = arith.constant 0 : i32
      %dma_start3A_85 = arith.constant 0 : i32
      %dma_start3A_86 = tpu.memref_slice %arg7[%dma_start3A_84, %dma_start3A_85] : memref<1440x16xf32, #tpu.memory_space<hbm>> -> memref<1440x16xf32, #tpu.memory_space<hbm>>
      tpu.enqueue_indirect_dma source(%dma_start3A_86 : memref<1440x16xf32, #tpu.memory_space<hbm>>) target(%dma_start3A_80 : memref<128x16xf32, #tpu.memory_space<vmem>>) offsets(%dma_start3A_83 : memref<128xi32, #tpu.memory_space<vmem>>) semaphore(%arg18 : memref<!tpu.dma_semaphore, #tpu.memory_space<semaphore_mem>>)
      %dma_start3A_87 = arith.constant 1 : i32
      %dma_start3A_88 = arith.constant 128 : i32
      %dma_start3A_89 = arith.constant 0 : i32
      %dma_start3A_90 = tpu.memref_slice %arg17[%dma_start3A_88, %dma_start3A_89] : memref<512x16xf32, #tpu.memory_space<vmem>> -> memref<128x16xf32, #tpu.memory_space<vmem>>
      %dma_start3A_91 = arith.constant 0 : i32
      %dma_start3A_92 = tpu.memref_slice %arg13[%dma_start3A_87, %dma_start3A_91] : memref<4x128xi32, #tpu.memory_space<vmem>> -> memref<1x128xi32, #tpu.memory_space<vmem>>
      %dma_start3A_93 = tpu.memref_squeeze %dma_start3A_92 : memref<1x128xi32, #tpu.memory_space<vmem>> -> memref<128xi32, #tpu.memory_space<vmem>>
      %dma_start3A_94 = arith.constant 0 : i32
      %dma_start3A_95 = arith.constant 0 : i32
      %dma_start3A_96 = tpu.memref_slice %arg8[%dma_start3A_94, %dma_start3A_95] : memref<1440x16xf32, #tpu.memory_space<hbm>> -> memref<1440x16xf32, #tpu.memory_space<hbm>>
      tpu.enqueue_indirect_dma source(%dma_start3A_96 : memref<1440x16xf32, #tpu.memory_space<hbm>>) target(%dma_start3A_90 : memref<128x16xf32, #tpu.memory_space<vmem>>) offsets(%dma_start3A_93 : memref<128xi32, #tpu.memory_space<vmem>>) semaphore(%arg18 : memref<!tpu.dma_semaphore, #tpu.memory_space<semaphore_mem>>)
      %dma_start3A_97 = arith.constant 2 : i32
      %dma_start3A_98 = arith.constant 256 : i32
      %dma_start3A_99 = arith.constant 0 : i32
      %dma_start3A_100 = tpu.memref_slice %arg14[%dma_start3A_98, %dma_start3A_99] : memref<512x32xf32, #tpu.memory_space<vmem>> -> memref<128x32xf32, #tpu.memory_space<vmem>>
      %dma_start3A_101 = arith.constant 0 : i32
      %dma_start3A_102 = tpu.memref_slice %arg10[%dma_start3A_97, %dma_start3A_101] : memref<4x128xi32, #tpu.memory_space<vmem>> -> memref<1x128xi32, #tpu.memory_space<vmem>>
      %dma_start3A_103 = tpu.memref_squeeze %dma_start3A_102 : memref<1x128xi32, #tpu.memory_space<vmem>> -> memref<128xi32, #tpu.memory_space<vmem>>
      %dma_start3A_104 = arith.constant 0 : i32
      %dma_start3A_105 = arith.constant 0 : i32
      %dma_start3A_106 = tpu.memref_slice %arg6[%dma_start3A_104, %dma_start3A_105] : memref<1000x32xf32, #tpu.memory_space<hbm>> -> memref<1000x32xf32, #tpu.memory_space<hbm>>
      tpu.enqueue_indirect_dma source(%dma_start3A_106 : memref<1000x32xf32, #tpu.memory_space<hbm>>) target(%dma_start3A_100 : memref<128x32xf32, #tpu.memory_space<vmem>>) offsets(%dma_start3A_103 : memref<128xi32, #tpu.memory_space<vmem>>) semaphore(%arg18 : memref<!tpu.dma_semaphore, #tpu.memory_space<semaphore_mem>>)
      %dma_start3A_107 = arith.constant 2 : i32
      %dma_start3A_108 = arith.constant 256 : i32
      %dma_start3A_109 = arith.constant 0 : i32
      %dma_start3A_110 = tpu.memref_slice %arg15[%dma_start3A_108, %dma_start3A_109] : memref<512x16xf32, #tpu.memory_space<vmem>> -> memref<128x16xf32, #tpu.memory_space<vmem>>
      %dma_start3A_111 = arith.constant 0 : i32
      %dma_start3A_112 = tpu.memref_slice %arg11[%dma_start3A_107, %dma_start3A_111] : memref<4x128xi32, #tpu.memory_space<vmem>> -> memref<1x128xi32, #tpu.memory_space<vmem>>
      %dma_start3A_113 = tpu.memref_squeeze %dma_start3A_112 : memref<1x128xi32, #tpu.memory_space<vmem>> -> memref<128xi32, #tpu.memory_space<vmem>>
      %dma_start3A_114 = arith.constant 0 : i32
      %dma_start3A_115 = arith.constant 0 : i32
      %dma_start3A_116 = tpu.memref_slice %arg7[%dma_start3A_114, %dma_start3A_115] : memref<1440x16xf32, #tpu.memory_space<hbm>> -> memref<1440x16xf32, #tpu.memory_space<hbm>>
      tpu.enqueue_indirect_dma source(%dma_start3A_116 : memref<1440x16xf32, #tpu.memory_space<hbm>>) target(%dma_start3A_110 : memref<128x16xf32, #tpu.memory_space<vmem>>) offsets(%dma_start3A_113 : memref<128xi32, #tpu.memory_space<vmem>>) semaphore(%arg18 : memref<!tpu.dma_semaphore, #tpu.memory_space<semaphore_mem>>)
      %dma_start3A_117 = arith.constant 2 : i32
      %dma_start3A_118 = arith.constant 256 : i32
      %dma_start3A_119 = arith.constant 0 : i32
      %dma_start3A_120 = tpu.memref_slice %arg16[%dma_start3A_118, %dma_start3A_119] : memref<512x16xf32, #tpu.memory_space<vmem>> -> memref<128x16xf32, #tpu.memory_space<vmem>>
      %dma_start3A_121 = arith.constant 0 : i32
      %dma_start3A_122 = tpu.memref_slice %arg12[%dma_start3A_117, %dma_start3A_121] : memref<4x128xi32, #tpu.memory_space<vmem>> -> memref<1x128xi32, #tpu.memory_space<vmem>>
      %dma_start3A_123 = tpu.memref_squeeze %dma_start3A_122 : memref<1x128xi32, #tpu.memory_space<vmem>> -> memref<128xi32, #tpu.memory_space<vmem>>
      %dma_start3A_124 = arith.constant 0 : i32
      %dma_start3A_125 = arith.constant 0 : i32
      %dma_start3A_126 = tpu.memref_slice %arg7[%dma_start3A_124, %dma_start3A_125] : memref<1440x16xf32, #tpu.memory_space<hbm>> -> memref<1440x16xf32, #tpu.memory_space<hbm>>
      tpu.enqueue_indirect_dma source(%dma_start3A_126 : memref<1440x16xf32, #tpu.memory_space<hbm>>) target(%dma_start3A_120 : memref<128x16xf32, #tpu.memory_space<vmem>>) offsets(%dma_start3A_123 : memref<128xi32, #tpu.memory_space<vmem>>) semaphore(%arg18 : memref<!tpu.dma_semaphore, #tpu.memory_space<semaphore_mem>>)
      %dma_start3A_127 = arith.constant 2 : i32
      %dma_start3A_128 = arith.constant 256 : i32
      %dma_start3A_129 = arith.constant 0 : i32
      %dma_start3A_130 = tpu.memref_slice %arg17[%dma_start3A_128, %dma_start3A_129] : memref<512x16xf32, #tpu.memory_space<vmem>> -> memref<128x16xf32, #tpu.memory_space<vmem>>
      %dma_start3A_131 = arith.constant 0 : i32
      %dma_start3A_132 = tpu.memref_slice %arg13[%dma_start3A_127, %dma_start3A_131] : memref<4x128xi32, #tpu.memory_space<vmem>> -> memref<1x128xi32, #tpu.memory_space<vmem>>
      %dma_start3A_133 = tpu.memref_squeeze %dma_start3A_132 : memref<1x128xi32, #tpu.memory_space<vmem>> -> memref<128xi32, #tpu.memory_space<vmem>>
      %dma_start3A_134 = arith.constant 0 : i32
      %dma_start3A_135 = arith.constant 0 : i32
      %dma_start3A_136 = tpu.memref_slice %arg8[%dma_start3A_134, %dma_start3A_135] : memref<1440x16xf32, #tpu.memory_space<hbm>> -> memref<1440x16xf32, #tpu.memory_space<hbm>>
      tpu.enqueue_indirect_dma source(%dma_start3A_136 : memref<1440x16xf32, #tpu.memory_space<hbm>>) target(%dma_start3A_130 : memref<128x16xf32, #tpu.memory_space<vmem>>) offsets(%dma_start3A_133 : memref<128xi32, #tpu.memory_space<vmem>>) semaphore(%arg18 : memref<!tpu.dma_semaphore, #tpu.memory_space<semaphore_mem>>)
      %dma_start3A_137 = arith.constant 3 : i32
      %dma_start3A_138 = arith.constant 384 : i32
      %dma_start3A_139 = arith.constant 0 : i32
      %dma_start3A_140 = tpu.memref_slice %arg14[%dma_start3A_138, %dma_start3A_139] : memref<512x32xf32, #tpu.memory_space<vmem>> -> memref<128x32xf32, #tpu.memory_space<vmem>>
      %dma_start3A_141 = arith.constant 0 : i32
      %dma_start3A_142 = tpu.memref_slice %arg10[%dma_start3A_137, %dma_start3A_141] : memref<4x128xi32, #tpu.memory_space<vmem>> -> memref<1x128xi32, #tpu.memory_space<vmem>>
      %dma_start3A_143 = tpu.memref_squeeze %dma_start3A_142 : memref<1x128xi32, #tpu.memory_space<vmem>> -> memref<128xi32, #tpu.memory_space<vmem>>
      %dma_start3A_144 = arith.constant 0 : i32
      %dma_start3A_145 = arith.constant 0 : i32
      %dma_start3A_146 = tpu.memref_slice %arg6[%dma_start3A_144, %dma_start3A_145] : memref<1000x32xf32, #tpu.memory_space<hbm>> -> memref<1000x32xf32, #tpu.memory_space<hbm>>
      tpu.enqueue_indirect_dma source(%dma_start3A_146 : memref<1000x32xf32, #tpu.memory_space<hbm>>) target(%dma_start3A_140 : memref<128x32xf32, #tpu.memory_space<vmem>>) offsets(%dma_start3A_143 : memref<128xi32, #tpu.memory_space<vmem>>) semaphore(%arg18 : memref<!tpu.dma_semaphore, #tpu.memory_space<semaphore_mem>>)
      %dma_start3A_147 = arith.constant 3 : i32
      %dma_start3A_148 = arith.constant 384 : i32
      %dma_start3A_149 = arith.constant 0 : i32
      %dma_start3A_150 = tpu.memref_slice %arg15[%dma_start3A_148, %dma_start3A_149] : memref<512x16xf32, #tpu.memory_space<vmem>> -> memref<128x16xf32, #tpu.memory_space<vmem>>
      %dma_start3A_151 = arith.constant 0 : i32
      %dma_start3A_152 = tpu.memref_slice %arg11[%dma_start3A_147, %dma_start3A_151] : memref<4x128xi32, #tpu.memory_space<vmem>> -> memref<1x128xi32, #tpu.memory_space<vmem>>
      %dma_start3A_153 = tpu.memref_squeeze %dma_start3A_152 : memref<1x128xi32, #tpu.memory_space<vmem>> -> memref<128xi32, #tpu.memory_space<vmem>>
      %dma_start3A_154 = arith.constant 0 : i32
      %dma_start3A_155 = arith.constant 0 : i32
      %dma_start3A_156 = tpu.memref_slice %arg7[%dma_start3A_154, %dma_start3A_155] : memref<1440x16xf32, #tpu.memory_space<hbm>> -> memref<1440x16xf32, #tpu.memory_space<hbm>>
      tpu.enqueue_indirect_dma source(%dma_start3A_156 : memref<1440x16xf32, #tpu.memory_space<hbm>>) target(%dma_start3A_150 : memref<128x16xf32, #tpu.memory_space<vmem>>) offsets(%dma_start3A_153 : memref<128xi32, #tpu.memory_space<vmem>>) semaphore(%arg18 : memref<!tpu.dma_semaphore, #tpu.memory_space<semaphore_mem>>)
      %dma_start3A_157 = arith.constant 3 : i32
      %dma_start3A_158 = arith.constant 384 : i32
      %dma_start3A_159 = arith.constant 0 : i32
      %dma_start3A_160 = tpu.memref_slice %arg16[%dma_start3A_158, %dma_start3A_159] : memref<512x16xf32, #tpu.memory_space<vmem>> -> memref<128x16xf32, #tpu.memory_space<vmem>>
      %dma_start3A_161 = arith.constant 0 : i32
      %dma_start3A_162 = tpu.memref_slice %arg12[%dma_start3A_157, %dma_start3A_161] : memref<4x128xi32, #tpu.memory_space<vmem>> -> memref<1x128xi32, #tpu.memory_space<vmem>>
      %dma_start3A_163 = tpu.memref_squeeze %dma_start3A_162 : memref<1x128xi32, #tpu.memory_space<vmem>> -> memref<128xi32, #tpu.memory_space<vmem>>
      %dma_start3A_164 = arith.constant 0 : i32
      %dma_start3A_165 = arith.constant 0 : i32
      %dma_start3A_166 = tpu.memref_slice %arg7[%dma_start3A_164, %dma_start3A_165] : memref<1440x16xf32, #tpu.memory_space<hbm>> -> memref<1440x16xf32, #tpu.memory_space<hbm>>
      tpu.enqueue_indirect_dma source(%dma_start3A_166 : memref<1440x16xf32, #tpu.memory_space<hbm>>) target(%dma_start3A_160 : memref<128x16xf32, #tpu.memory_space<vmem>>) offsets(%dma_start3A_163 : memref<128xi32, #tpu.memory_space<vmem>>) semaphore(%arg18 : memref<!tpu.dma_semaphore, #tpu.memory_space<semaphore_mem>>)
      %dma_start3A_167 = arith.constant 3 : i32
      %dma_start3A_168 = arith.constant 384 : i32
      %dma_start3A_169 = arith.constant 0 : i32
      %dma_start3A_170 = tpu.memref_slice %arg17[%dma_start3A_168, %dma_start3A_169] : memref<512x16xf32, #tpu.memory_space<vmem>> -> memref<128x16xf32, #tpu.memory_space<vmem>>
      %dma_start3A_171 = arith.constant 0 : i32
      %dma_start3A_172 = tpu.memref_slice %arg13[%dma_start3A_167, %dma_start3A_171] : memref<4x128xi32, #tpu.memory_space<vmem>> -> memref<1x128xi32, #tpu.memory_space<vmem>>
      %dma_start3A_173 = tpu.memref_squeeze %dma_start3A_172 : memref<1x128xi32, #tpu.memory_space<vmem>> -> memref<128xi32, #tpu.memory_space<vmem>>
      %dma_start3A_174 = arith.constant 0 : i32
      %dma_start3A_175 = arith.constant 0 : i32
      %dma_start3A_176 = tpu.memref_slice %arg8[%dma_start3A_174, %dma_start3A_175] : memref<1440x16xf32, #tpu.memory_space<hbm>> -> memref<1440x16xf32, #tpu.memory_space<hbm>>
      tpu.enqueue_indirect_dma source(%dma_start3A_176 : memref<1440x16xf32, #tpu.memory_space<hbm>>) target(%dma_start3A_170 : memref<128x16xf32, #tpu.memory_space<vmem>>) offsets(%dma_start3A_173 : memref<128xi32, #tpu.memory_space<vmem>>) semaphore(%arg18 : memref<!tpu.dma_semaphore, #tpu.memory_space<semaphore_mem>>)
      %dma_wait3A = arith.constant 0 : i32
      %dma_wait3A_177 = arith.constant 0 : i32
      %dma_wait3A_178 = arith.constant 0 : i32
      %dma_wait3A_179 = tpu.memref_slice %arg14[%dma_wait3A_177, %dma_wait3A_178] : memref<512x32xf32, #tpu.memory_space<vmem>> -> memref<128x32xf32, #tpu.memory_space<vmem>>
      %dma_wait3A_180 = arith.constant 0 : i32
      %dma_wait3A_181 = tpu.memref_slice %arg10[%dma_wait3A, %dma_wait3A_180] : memref<4x128xi32, #tpu.memory_space<vmem>> -> memref<1x128xi32, #tpu.memory_space<vmem>>
      %dma_wait3A_182 = tpu.memref_squeeze %dma_wait3A_181 : memref<1x128xi32, #tpu.memory_space<vmem>> -> memref<128xi32, #tpu.memory_space<vmem>>
      %dma_wait3A_183 = arith.constant 0 : i32
      %dma_wait3A_184 = arith.constant 0 : i32
      %dma_wait3A_185 = tpu.memref_slice %arg6[%dma_wait3A_183, %dma_wait3A_184] : memref<1000x32xf32, #tpu.memory_space<hbm>> -> memref<1000x32xf32, #tpu.memory_space<hbm>>
      tpu.wait_indirect_dma semaphore(%arg18 : memref<!tpu.dma_semaphore, #tpu.memory_space<semaphore_mem>>) src(%dma_wait3A_185 : memref<1000x32xf32, #tpu.memory_space<hbm>>) dst(%dma_wait3A_179 : memref<128x32xf32, #tpu.memory_space<vmem>>)
      %dma_wait3A_186 = arith.constant 0 : i32
      %dma_wait3A_187 = arith.constant 0 : i32
      %dma_wait3A_188 = arith.constant 0 : i32
      %dma_wait3A_189 = tpu.memref_slice %arg15[%dma_wait3A_187, %dma_wait3A_188] : memref<512x16xf32, #tpu.memory_space<vmem>> -> memref<128x16xf32, #tpu.memory_space<vmem>>
      %dma_wait3A_190 = arith.constant 0 : i32
      %dma_wait3A_191 = tpu.memref_slice %arg11[%dma_wait3A_186, %dma_wait3A_190] : memref<4x128xi32, #tpu.memory_space<vmem>> -> memref<1x128xi32, #tpu.memory_space<vmem>>
      %dma_wait3A_192 = tpu.memref_squeeze %dma_wait3A_191 : memref<1x128xi32, #tpu.memory_space<vmem>> -> memref<128xi32, #tpu.memory_space<vmem>>
      %dma_wait3A_193 = arith.constant 0 : i32
      %dma_wait3A_194 = arith.constant 0 : i32
      %dma_wait3A_195 = tpu.memref_slice %arg7[%dma_wait3A_193, %dma_wait3A_194] : memref<1440x16xf32, #tpu.memory_space<hbm>> -> memref<1440x16xf32, #tpu.memory_space<hbm>>
      tpu.wait_indirect_dma semaphore(%arg18 : memref<!tpu.dma_semaphore, #tpu.memory_space<semaphore_mem>>) src(%dma_wait3A_195 : memref<1440x16xf32, #tpu.memory_space<hbm>>) dst(%dma_wait3A_189 : memref<128x16xf32, #tpu.memory_space<vmem>>)
      %dma_wait3A_196 = arith.constant 0 : i32
      %dma_wait3A_197 = arith.constant 0 : i32
      %dma_wait3A_198 = arith.constant 0 : i32
      %dma_wait3A_199 = tpu.memref_slice %arg16[%dma_wait3A_197, %dma_wait3A_198] : memref<512x16xf32, #tpu.memory_space<vmem>> -> memref<128x16xf32, #tpu.memory_space<vmem>>
      %dma_wait3A_200 = arith.constant 0 : i32
      %dma_wait3A_201 = tpu.memref_slice %arg12[%dma_wait3A_196, %dma_wait3A_200] : memref<4x128xi32, #tpu.memory_space<vmem>> -> memref<1x128xi32, #tpu.memory_space<vmem>>
      %dma_wait3A_202 = tpu.memref_squeeze %dma_wait3A_201 : memref<1x128xi32, #tpu.memory_space<vmem>> -> memref<128xi32, #tpu.memory_space<vmem>>
      %dma_wait3A_203 = arith.constant 0 : i32
      %dma_wait3A_204 = arith.constant 0 : i32
      %dma_wait3A_205 = tpu.memref_slice %arg7[%dma_wait3A_203, %dma_wait3A_204] : memref<1440x16xf32, #tpu.memory_space<hbm>> -> memref<1440x16xf32, #tpu.memory_space<hbm>>
      tpu.wait_indirect_dma semaphore(%arg18 : memref<!tpu.dma_semaphore, #tpu.memory_space<semaphore_mem>>) src(%dma_wait3A_205 : memref<1440x16xf32, #tpu.memory_space<hbm>>) dst(%dma_wait3A_199 : memref<128x16xf32, #tpu.memory_space<vmem>>)
      %dma_wait3A_206 = arith.constant 0 : i32
      %dma_wait3A_207 = arith.constant 0 : i32
      %dma_wait3A_208 = arith.constant 0 : i32
      %dma_wait3A_209 = tpu.memref_slice %arg17[%dma_wait3A_207, %dma_wait3A_208] : memref<512x16xf32, #tpu.memory_space<vmem>> -> memref<128x16xf32, #tpu.memory_space<vmem>>
      %dma_wait3A_210 = arith.constant 0 : i32
      %dma_wait3A_211 = tpu.memref_slice %arg13[%dma_wait3A_206, %dma_wait3A_210] : memref<4x128xi32, #tpu.memory_space<vmem>> -> memref<1x128xi32, #tpu.memory_space<vmem>>
      %dma_wait3A_212 = tpu.memref_squeeze %dma_wait3A_211 : memref<1x128xi32, #tpu.memory_space<vmem>> -> memref<128xi32, #tpu.memory_space<vmem>>
      %dma_wait3A_213 = arith.constant 0 : i32
      %dma_wait3A_214 = arith.constant 0 : i32
      %dma_wait3A_215 = tpu.memref_slice %arg8[%dma_wait3A_213, %dma_wait3A_214] : memref<1440x16xf32, #tpu.memory_space<hbm>> -> memref<1440x16xf32, #tpu.memory_space<hbm>>
      tpu.wait_indirect_dma semaphore(%arg18 : memref<!tpu.dma_semaphore, #tpu.memory_space<semaphore_mem>>) src(%dma_wait3A_215 : memref<1440x16xf32, #tpu.memory_space<hbm>>) dst(%dma_wait3A_209 : memref<128x16xf32, #tpu.memory_space<vmem>>)
      %dma_wait3A_216 = arith.constant 1 : i32
      %dma_wait3A_217 = arith.constant 128 : i32
      %dma_wait3A_218 = arith.constant 0 : i32
      %dma_wait3A_219 = tpu.memref_slice %arg14[%dma_wait3A_217, %dma_wait3A_218] : memref<512x32xf32, #tpu.memory_space<vmem>> -> memref<128x32xf32, #tpu.memory_space<vmem>>
      %dma_wait3A_220 = arith.constant 0 : i32
      %dma_wait3A_221 = tpu.memref_slice %arg10[%dma_wait3A_216, %dma_wait3A_220] : memref<4x128xi32, #tpu.memory_space<vmem>> -> memref<1x128xi32, #tpu.memory_space<vmem>>
      %dma_wait3A_222 = tpu.memref_squeeze %dma_wait3A_221 : memref<1x128xi32, #tpu.memory_space<vmem>> -> memref<128xi32, #tpu.memory_space<vmem>>
      %dma_wait3A_223 = arith.constant 0 : i32
      %dma_wait3A_224 = arith.constant 0 : i32
      %dma_wait3A_225 = tpu.memref_slice %arg6[%dma_wait3A_223, %dma_wait3A_224] : memref<1000x32xf32, #tpu.memory_space<hbm>> -> memref<1000x32xf32, #tpu.memory_space<hbm>>
      tpu.wait_indirect_dma semaphore(%arg18 : memref<!tpu.dma_semaphore, #tpu.memory_space<semaphore_mem>>) src(%dma_wait3A_225 : memref<1000x32xf32, #tpu.memory_space<hbm>>) dst(%dma_wait3A_219 : memref<128x32xf32, #tpu.memory_space<vmem>>)
      %dma_wait3A_226 = arith.constant 1 : i32
      %dma_wait3A_227 = arith.constant 128 : i32
      %dma_wait3A_228 = arith.constant 0 : i32
      %dma_wait3A_229 = tpu.memref_slice %arg15[%dma_wait3A_227, %dma_wait3A_228] : memref<512x16xf32, #tpu.memory_space<vmem>> -> memref<128x16xf32, #tpu.memory_space<vmem>>
      %dma_wait3A_230 = arith.constant 0 : i32
      %dma_wait3A_231 = tpu.memref_slice %arg11[%dma_wait3A_226, %dma_wait3A_230] : memref<4x128xi32, #tpu.memory_space<vmem>> -> memref<1x128xi32, #tpu.memory_space<vmem>>
      %dma_wait3A_232 = tpu.memref_squeeze %dma_wait3A_231 : memref<1x128xi32, #tpu.memory_space<vmem>> -> memref<128xi32, #tpu.memory_space<vmem>>
      %dma_wait3A_233 = arith.constant 0 : i32
      %dma_wait3A_234 = arith.constant 0 : i32
      %dma_wait3A_235 = tpu.memref_slice %arg7[%dma_wait3A_233, %dma_wait3A_234] : memref<1440x16xf32, #tpu.memory_space<hbm>> -> memref<1440x16xf32, #tpu.memory_space<hbm>>
      tpu.wait_indirect_dma semaphore(%arg18 : memref<!tpu.dma_semaphore, #tpu.memory_space<semaphore_mem>>) src(%dma_wait3A_235 : memref<1440x16xf32, #tpu.memory_space<hbm>>) dst(%dma_wait3A_229 : memref<128x16xf32, #tpu.memory_space<vmem>>)
      %dma_wait3A_236 = arith.constant 1 : i32
      %dma_wait3A_237 = arith.constant 128 : i32
      %dma_wait3A_238 = arith.constant 0 : i32
      %dma_wait3A_239 = tpu.memref_slice %arg16[%dma_wait3A_237, %dma_wait3A_238] : memref<512x16xf32, #tpu.memory_space<vmem>> -> memref<128x16xf32, #tpu.memory_space<vmem>>
      %dma_wait3A_240 = arith.constant 0 : i32
      %dma_wait3A_241 = tpu.memref_slice %arg12[%dma_wait3A_236, %dma_wait3A_240] : memref<4x128xi32, #tpu.memory_space<vmem>> -> memref<1x128xi32, #tpu.memory_space<vmem>>
      %dma_wait3A_242 = tpu.memref_squeeze %dma_wait3A_241 : memref<1x128xi32, #tpu.memory_space<vmem>> -> memref<128xi32, #tpu.memory_space<vmem>>
      %dma_wait3A_243 = arith.constant 0 : i32
      %dma_wait3A_244 = arith.constant 0 : i32
      %dma_wait3A_245 = tpu.memref_slice %arg7[%dma_wait3A_243, %dma_wait3A_244] : memref<1440x16xf32, #tpu.memory_space<hbm>> -> memref<1440x16xf32, #tpu.memory_space<hbm>>
      tpu.wait_indirect_dma semaphore(%arg18 : memref<!tpu.dma_semaphore, #tpu.memory_space<semaphore_mem>>) src(%dma_wait3A_245 : memref<1440x16xf32, #tpu.memory_space<hbm>>) dst(%dma_wait3A_239 : memref<128x16xf32, #tpu.memory_space<vmem>>)
      %dma_wait3A_246 = arith.constant 1 : i32
      %dma_wait3A_247 = arith.constant 128 : i32
      %dma_wait3A_248 = arith.constant 0 : i32
      %dma_wait3A_249 = tpu.memref_slice %arg17[%dma_wait3A_247, %dma_wait3A_248] : memref<512x16xf32, #tpu.memory_space<vmem>> -> memref<128x16xf32, #tpu.memory_space<vmem>>
      %dma_wait3A_250 = arith.constant 0 : i32
      %dma_wait3A_251 = tpu.memref_slice %arg13[%dma_wait3A_246, %dma_wait3A_250] : memref<4x128xi32, #tpu.memory_space<vmem>> -> memref<1x128xi32, #tpu.memory_space<vmem>>
      %dma_wait3A_252 = tpu.memref_squeeze %dma_wait3A_251 : memref<1x128xi32, #tpu.memory_space<vmem>> -> memref<128xi32, #tpu.memory_space<vmem>>
      %dma_wait3A_253 = arith.constant 0 : i32
      %dma_wait3A_254 = arith.constant 0 : i32
      %dma_wait3A_255 = tpu.memref_slice %arg8[%dma_wait3A_253, %dma_wait3A_254] : memref<1440x16xf32, #tpu.memory_space<hbm>> -> memref<1440x16xf32, #tpu.memory_space<hbm>>
      tpu.wait_indirect_dma semaphore(%arg18 : memref<!tpu.dma_semaphore, #tpu.memory_space<semaphore_mem>>) src(%dma_wait3A_255 : memref<1440x16xf32, #tpu.memory_space<hbm>>) dst(%dma_wait3A_249 : memref<128x16xf32, #tpu.memory_space<vmem>>)
      %dma_wait3A_256 = arith.constant 2 : i32
      %dma_wait3A_257 = arith.constant 256 : i32
      %dma_wait3A_258 = arith.constant 0 : i32
      %dma_wait3A_259 = tpu.memref_slice %arg14[%dma_wait3A_257, %dma_wait3A_258] : memref<512x32xf32, #tpu.memory_space<vmem>> -> memref<128x32xf32, #tpu.memory_space<vmem>>
      %dma_wait3A_260 = arith.constant 0 : i32
      %dma_wait3A_261 = tpu.memref_slice %arg10[%dma_wait3A_256, %dma_wait3A_260] : memref<4x128xi32, #tpu.memory_space<vmem>> -> memref<1x128xi32, #tpu.memory_space<vmem>>
      %dma_wait3A_262 = tpu.memref_squeeze %dma_wait3A_261 : memref<1x128xi32, #tpu.memory_space<vmem>> -> memref<128xi32, #tpu.memory_space<vmem>>
      %dma_wait3A_263 = arith.constant 0 : i32
      %dma_wait3A_264 = arith.constant 0 : i32
      %dma_wait3A_265 = tpu.memref_slice %arg6[%dma_wait3A_263, %dma_wait3A_264] : memref<1000x32xf32, #tpu.memory_space<hbm>> -> memref<1000x32xf32, #tpu.memory_space<hbm>>
      tpu.wait_indirect_dma semaphore(%arg18 : memref<!tpu.dma_semaphore, #tpu.memory_space<semaphore_mem>>) src(%dma_wait3A_265 : memref<1000x32xf32, #tpu.memory_space<hbm>>) dst(%dma_wait3A_259 : memref<128x32xf32, #tpu.memory_space<vmem>>)
      %dma_wait3A_266 = arith.constant 2 : i32
      %dma_wait3A_267 = arith.constant 256 : i32
      %dma_wait3A_268 = arith.constant 0 : i32
      %dma_wait3A_269 = tpu.memref_slice %arg15[%dma_wait3A_267, %dma_wait3A_268] : memref<512x16xf32, #tpu.memory_space<vmem>> -> memref<128x16xf32, #tpu.memory_space<vmem>>
      %dma_wait3A_270 = arith.constant 0 : i32
      %dma_wait3A_271 = tpu.memref_slice %arg11[%dma_wait3A_266, %dma_wait3A_270] : memref<4x128xi32, #tpu.memory_space<vmem>> -> memref<1x128xi32, #tpu.memory_space<vmem>>
      %dma_wait3A_272 = tpu.memref_squeeze %dma_wait3A_271 : memref<1x128xi32, #tpu.memory_space<vmem>> -> memref<128xi32, #tpu.memory_space<vmem>>
      %dma_wait3A_273 = arith.constant 0 : i32
      %dma_wait3A_274 = arith.constant 0 : i32
      %dma_wait3A_275 = tpu.memref_slice %arg7[%dma_wait3A_273, %dma_wait3A_274] : memref<1440x16xf32, #tpu.memory_space<hbm>> -> memref<1440x16xf32, #tpu.memory_space<hbm>>
      tpu.wait_indirect_dma semaphore(%arg18 : memref<!tpu.dma_semaphore, #tpu.memory_space<semaphore_mem>>) src(%dma_wait3A_275 : memref<1440x16xf32, #tpu.memory_space<hbm>>) dst(%dma_wait3A_269 : memref<128x16xf32, #tpu.memory_space<vmem>>)
      %dma_wait3A_276 = arith.constant 2 : i32
      %dma_wait3A_277 = arith.constant 256 : i32
      %dma_wait3A_278 = arith.constant 0 : i32
      %dma_wait3A_279 = tpu.memref_slice %arg16[%dma_wait3A_277, %dma_wait3A_278] : memref<512x16xf32, #tpu.memory_space<vmem>> -> memref<128x16xf32, #tpu.memory_space<vmem>>
      %dma_wait3A_280 = arith.constant 0 : i32
      %dma_wait3A_281 = tpu.memref_slice %arg12[%dma_wait3A_276, %dma_wait3A_280] : memref<4x128xi32, #tpu.memory_space<vmem>> -> memref<1x128xi32, #tpu.memory_space<vmem>>
      %dma_wait3A_282 = tpu.memref_squeeze %dma_wait3A_281 : memref<1x128xi32, #tpu.memory_space<vmem>> -> memref<128xi32, #tpu.memory_space<vmem>>
      %dma_wait3A_283 = arith.constant 0 : i32
      %dma_wait3A_284 = arith.constant 0 : i32
      %dma_wait3A_285 = tpu.memref_slice %arg7[%dma_wait3A_283, %dma_wait3A_284] : memref<1440x16xf32, #tpu.memory_space<hbm>> -> memref<1440x16xf32, #tpu.memory_space<hbm>>
      tpu.wait_indirect_dma semaphore(%arg18 : memref<!tpu.dma_semaphore, #tpu.memory_space<semaphore_mem>>) src(%dma_wait3A_285 : memref<1440x16xf32, #tpu.memory_space<hbm>>) dst(%dma_wait3A_279 : memref<128x16xf32, #tpu.memory_space<vmem>>)
      %dma_wait3A_286 = arith.constant 2 : i32
      %dma_wait3A_287 = arith.constant 256 : i32
      %dma_wait3A_288 = arith.constant 0 : i32
      %dma_wait3A_289 = tpu.memref_slice %arg17[%dma_wait3A_287, %dma_wait3A_288] : memref<512x16xf32, #tpu.memory_space<vmem>> -> memref<128x16xf32, #tpu.memory_space<vmem>>
      %dma_wait3A_290 = arith.constant 0 : i32
      %dma_wait3A_291 = tpu.memref_slice %arg13[%dma_wait3A_286, %dma_wait3A_290] : memref<4x128xi32, #tpu.memory_space<vmem>> -> memref<1x128xi32, #tpu.memory_space<vmem>>
      %dma_wait3A_292 = tpu.memref_squeeze %dma_wait3A_291 : memref<1x128xi32, #tpu.memory_space<vmem>> -> memref<128xi32, #tpu.memory_space<vmem>>
      %dma_wait3A_293 = arith.constant 0 : i32
      %dma_wait3A_294 = arith.constant 0 : i32
      %dma_wait3A_295 = tpu.memref_slice %arg8[%dma_wait3A_293, %dma_wait3A_294] : memref<1440x16xf32, #tpu.memory_space<hbm>> -> memref<1440x16xf32, #tpu.memory_space<hbm>>
      tpu.wait_indirect_dma semaphore(%arg18 : memref<!tpu.dma_semaphore, #tpu.memory_space<semaphore_mem>>) src(%dma_wait3A_295 : memref<1440x16xf32, #tpu.memory_space<hbm>>) dst(%dma_wait3A_289 : memref<128x16xf32, #tpu.memory_space<vmem>>)
      %dma_wait3A_296 = arith.constant 3 : i32
      %dma_wait3A_297 = arith.constant 384 : i32
      %dma_wait3A_298 = arith.constant 0 : i32
      %dma_wait3A_299 = tpu.memref_slice %arg14[%dma_wait3A_297, %dma_wait3A_298] : memref<512x32xf32, #tpu.memory_space<vmem>> -> memref<128x32xf32, #tpu.memory_space<vmem>>
      %dma_wait3A_300 = arith.constant 0 : i32
      %dma_wait3A_301 = tpu.memref_slice %arg10[%dma_wait3A_296, %dma_wait3A_300] : memref<4x128xi32, #tpu.memory_space<vmem>> -> memref<1x128xi32, #tpu.memory_space<vmem>>
      %dma_wait3A_302 = tpu.memref_squeeze %dma_wait3A_301 : memref<1x128xi32, #tpu.memory_space<vmem>> -> memref<128xi32, #tpu.memory_space<vmem>>
      %dma_wait3A_303 = arith.constant 0 : i32
      %dma_wait3A_304 = arith.constant 0 : i32
      %dma_wait3A_305 = tpu.memref_slice %arg6[%dma_wait3A_303, %dma_wait3A_304] : memref<1000x32xf32, #tpu.memory_space<hbm>> -> memref<1000x32xf32, #tpu.memory_space<hbm>>
      tpu.wait_indirect_dma semaphore(%arg18 : memref<!tpu.dma_semaphore, #tpu.memory_space<semaphore_mem>>) src(%dma_wait3A_305 : memref<1000x32xf32, #tpu.memory_space<hbm>>) dst(%dma_wait3A_299 : memref<128x32xf32, #tpu.memory_space<vmem>>)
      %dma_wait3A_306 = arith.constant 3 : i32
      %dma_wait3A_307 = arith.constant 384 : i32
      %dma_wait3A_308 = arith.constant 0 : i32
      %dma_wait3A_309 = tpu.memref_slice %arg15[%dma_wait3A_307, %dma_wait3A_308] : memref<512x16xf32, #tpu.memory_space<vmem>> -> memref<128x16xf32, #tpu.memory_space<vmem>>
      %dma_wait3A_310 = arith.constant 0 : i32
      %dma_wait3A_311 = tpu.memref_slice %arg11[%dma_wait3A_306, %dma_wait3A_310] : memref<4x128xi32, #tpu.memory_space<vmem>> -> memref<1x128xi32, #tpu.memory_space<vmem>>
      %dma_wait3A_312 = tpu.memref_squeeze %dma_wait3A_311 : memref<1x128xi32, #tpu.memory_space<vmem>> -> memref<128xi32, #tpu.memory_space<vmem>>
      %dma_wait3A_313 = arith.constant 0 : i32
      %dma_wait3A_314 = arith.constant 0 : i32
      %dma_wait3A_315 = tpu.memref_slice %arg7[%dma_wait3A_313, %dma_wait3A_314] : memref<1440x16xf32, #tpu.memory_space<hbm>> -> memref<1440x16xf32, #tpu.memory_space<hbm>>
      tpu.wait_indirect_dma semaphore(%arg18 : memref<!tpu.dma_semaphore, #tpu.memory_space<semaphore_mem>>) src(%dma_wait3A_315 : memref<1440x16xf32, #tpu.memory_space<hbm>>) dst(%dma_wait3A_309 : memref<128x16xf32, #tpu.memory_space<vmem>>)
      %dma_wait3A_316 = arith.constant 3 : i32
      %dma_wait3A_317 = arith.constant 384 : i32
      %dma_wait3A_318 = arith.constant 0 : i32
      %dma_wait3A_319 = tpu.memref_slice %arg16[%dma_wait3A_317, %dma_wait3A_318] : memref<512x16xf32, #tpu.memory_space<vmem>> -> memref<128x16xf32, #tpu.memory_space<vmem>>
      %dma_wait3A_320 = arith.constant 0 : i32
      %dma_wait3A_321 = tpu.memref_slice %arg12[%dma_wait3A_316, %dma_wait3A_320] : memref<4x128xi32, #tpu.memory_space<vmem>> -> memref<1x128xi32, #tpu.memory_space<vmem>>
      %dma_wait3A_322 = tpu.memref_squeeze %dma_wait3A_321 : memref<1x128xi32, #tpu.memory_space<vmem>> -> memref<128xi32, #tpu.memory_space<vmem>>
      %dma_wait3A_323 = arith.constant 0 : i32
      %dma_wait3A_324 = arith.constant 0 : i32
      %dma_wait3A_325 = tpu.memref_slice %arg7[%dma_wait3A_323, %dma_wait3A_324] : memref<1440x16xf32, #tpu.memory_space<hbm>> -> memref<1440x16xf32, #tpu.memory_space<hbm>>
      tpu.wait_indirect_dma semaphore(%arg18 : memref<!tpu.dma_semaphore, #tpu.memory_space<semaphore_mem>>) src(%dma_wait3A_325 : memref<1440x16xf32, #tpu.memory_space<hbm>>) dst(%dma_wait3A_319 : memref<128x16xf32, #tpu.memory_space<vmem>>)
      %dma_wait3A_326 = arith.constant 3 : i32
      %dma_wait3A_327 = arith.constant 384 : i32
      %dma_wait3A_328 = arith.constant 0 : i32
      %dma_wait3A_329 = tpu.memref_slice %arg17[%dma_wait3A_327, %dma_wait3A_328] : memref<512x16xf32, #tpu.memory_space<vmem>> -> memref<128x16xf32, #tpu.memory_space<vmem>>
      %dma_wait3A_330 = arith.constant 0 : i32
      %dma_wait3A_331 = tpu.memref_slice %arg13[%dma_wait3A_326, %dma_wait3A_330] : memref<4x128xi32, #tpu.memory_space<vmem>> -> memref<1x128xi32, #tpu.memory_space<vmem>>
      %dma_wait3A_332 = tpu.memref_squeeze %dma_wait3A_331 : memref<1x128xi32, #tpu.memory_space<vmem>> -> memref<128xi32, #tpu.memory_space<vmem>>
      %dma_wait3A_333 = arith.constant 0 : i32
      %dma_wait3A_334 = arith.constant 0 : i32
      %dma_wait3A_335 = tpu.memref_slice %arg8[%dma_wait3A_333, %dma_wait3A_334] : memref<1440x16xf32, #tpu.memory_space<hbm>> -> memref<1440x16xf32, #tpu.memory_space<hbm>>
      tpu.wait_indirect_dma semaphore(%arg18 : memref<!tpu.dma_semaphore, #tpu.memory_space<semaphore_mem>>) src(%dma_wait3A_335 : memref<1440x16xf32, #tpu.memory_space<hbm>>) dst(%dma_wait3A_329 : memref<128x16xf32, #tpu.memory_space<vmem>>)
      %mul3A_336 = arith.constant 512 : i32
      %mul3A_337 = arith.muli %add3A_17, %mul3A_336 : i32
      "tpu.region"() ({
        %run_scoped3A = tpu.sem_alloc : memref<!tpu.dma_semaphore, #tpu.memory_space<semaphore_mem>>
        %dma_start3A_338 = arith.constant 0 : i32
        %dma_start3A_339 = tpu.memref_slice %arg9[%mul3A_337, %dma_start3A_338] : memref<204800x80xf32, #tpu.memory_space<hbm>> -> memref<512x32xf32, #tpu.memory_space<hbm>>
        %dma_start3A_340 = arith.constant 0 : i32
        %dma_start3A_341 = tpu.memref_slice %arg9[%mul3A_337, %dma_start3A_340] : memref<204800x80xf32, #tpu.memory_space<hbm>> -> memref<512x32xf32, #tpu.memory_space<hbm>>
        tpu.enqueue_dma source(%arg14 : memref<512x32xf32, #tpu.memory_space<vmem>>) target(%dma_start3A_341 : memref<512x32xf32, #tpu.memory_space<hbm>>) target_semaphore(%run_scoped3A : memref<!tpu.dma_semaphore, #tpu.memory_space<semaphore_mem>>)
        %dma_wait3A_342 = arith.constant 0 : i32
        %dma_wait3A_343 = tpu.memref_slice %arg9[%mul3A_337, %dma_wait3A_342] : memref<204800x80xf32, #tpu.memory_space<hbm>> -> memref<512x32xf32, #tpu.memory_space<hbm>>
        %dma_wait3A_344 = arith.constant 0 : i32
        %dma_wait3A_345 = tpu.memref_slice %arg9[%mul3A_337, %dma_wait3A_344] : memref<204800x80xf32, #tpu.memory_space<hbm>> -> memref<512x32xf32, #tpu.memory_space<hbm>>
        tpu.wait_dma2 semaphore(%run_scoped3A : memref<!tpu.dma_semaphore, #tpu.memory_space<semaphore_mem>>) src(%arg14 : memref<512x32xf32, #tpu.memory_space<vmem>>) dst(%dma_wait3A_345 : memref<512x32xf32, #tpu.memory_space<hbm>>)
        tpu.yield
      }) : () -> ()
      "tpu.region"() ({
        %run_scoped3A = tpu.sem_alloc : memref<!tpu.dma_semaphore, #tpu.memory_space<semaphore_mem>>
        %dma_start3A_338 = arith.constant 32 : i32
        %dma_start3A_339 = tpu.memref_slice %arg9[%mul3A_337, %dma_start3A_338] : memref<204800x80xf32, #tpu.memory_space<hbm>> -> memref<512x16xf32, #tpu.memory_space<hbm>>
        %dma_start3A_340 = arith.constant 32 : i32
        %dma_start3A_341 = tpu.memref_slice %arg9[%mul3A_337, %dma_start3A_340] : memref<204800x80xf32, #tpu.memory_space<hbm>> -> memref<512x16xf32, #tpu.memory_space<hbm>>
        tpu.enqueue_dma source(%arg15 : memref<512x16xf32, #tpu.memory_space<vmem>>) target(%dma_start3A_341 : memref<512x16xf32, #tpu.memory_space<hbm>>) target_semaphore(%run_scoped3A : memref<!tpu.dma_semaphore, #tpu.memory_space<semaphore_mem>>)
        %dma_wait3A_342 = arith.constant 32 : i32
        %dma_wait3A_343 = tpu.memref_slice %arg9[%mul3A_337, %dma_wait3A_342] : memref<204800x80xf32, #tpu.memory_space<hbm>> -> memref<512x16xf32, #tpu.memory_space<hbm>>
        %dma_wait3A_344 = arith.constant 32 : i32
        %dma_wait3A_345 = tpu.memref_slice %arg9[%mul3A_337, %dma_wait3A_344] : memref<204800x80xf32, #tpu.memory_space<hbm>> -> memref<512x16xf32, #tpu.memory_space<hbm>>
        tpu.wait_dma2 semaphore(%run_scoped3A : memref<!tpu.dma_semaphore, #tpu.memory_space<semaphore_mem>>) src(%arg15 : memref<512x16xf32, #tpu.memory_space<vmem>>) dst(%dma_wait3A_345 : memref<512x16xf32, #tpu.memory_space<hbm>>)
        tpu.yield
      }) : () -> ()
      "tpu.region"() ({
        %run_scoped3A = tpu.sem_alloc : memref<!tpu.dma_semaphore, #tpu.memory_space<semaphore_mem>>
        %dma_start3A_338 = arith.constant 48 : i32
        %dma_start3A_339 = tpu.memref_slice %arg9[%mul3A_337, %dma_start3A_338] : memref<204800x80xf32, #tpu.memory_space<hbm>> -> memref<512x16xf32, #tpu.memory_space<hbm>>
        %dma_start3A_340 = arith.constant 48 : i32
        %dma_start3A_341 = tpu.memref_slice %arg9[%mul3A_337, %dma_start3A_340] : memref<204800x80xf32, #tpu.memory_space<hbm>> -> memref<512x16xf32, #tpu.memory_space<hbm>>
        tpu.enqueue_dma source(%arg16 : memref<512x16xf32, #tpu.memory_space<vmem>>) target(%dma_start3A_341 : memref<512x16xf32, #tpu.memory_space<hbm>>) target_semaphore(%run_scoped3A : memref<!tpu.dma_semaphore, #tpu.memory_space<semaphore_mem>>)
        %dma_wait3A_342 = arith.constant 48 : i32
        %dma_wait3A_343 = tpu.memref_slice %arg9[%mul3A_337, %dma_wait3A_342] : memref<204800x80xf32, #tpu.memory_space<hbm>> -> memref<512x16xf32, #tpu.memory_space<hbm>>
        %dma_wait3A_344 = arith.constant 48 : i32
        %dma_wait3A_345 = tpu.memref_slice %arg9[%mul3A_337, %dma_wait3A_344] : memref<204800x80xf32, #tpu.memory_space<hbm>> -> memref<512x16xf32, #tpu.memory_space<hbm>>
        tpu.wait_dma2 semaphore(%run_scoped3A : memref<!tpu.dma_semaphore, #tpu.memory_space<semaphore_mem>>) src(%arg16 : memref<512x16xf32, #tpu.memory_space<vmem>>) dst(%dma_wait3A_345 : memref<512x16xf32, #tpu.memory_space<hbm>>)
        tpu.yield
      }) : () -> ()
      "tpu.region"() ({
        %run_scoped3A = tpu.sem_alloc : memref<!tpu.dma_semaphore, #tpu.memory_space<semaphore_mem>>
        %dma_start3A_338 = arith.constant 64 : i32
        %dma_start3A_339 = tpu.memref_slice %arg9[%mul3A_337, %dma_start3A_338] : memref<204800x80xf32, #tpu.memory_space<hbm>> -> memref<512x16xf32, #tpu.memory_space<hbm>>
        %dma_start3A_340 = arith.constant 64 : i32
        %dma_start3A_341 = tpu.memref_slice %arg9[%mul3A_337, %dma_start3A_340] : memref<204800x80xf32, #tpu.memory_space<hbm>> -> memref<512x16xf32, #tpu.memory_space<hbm>>
        tpu.enqueue_dma source(%arg17 : memref<512x16xf32, #tpu.memory_space<vmem>>) target(%dma_start3A_341 : memref<512x16xf32, #tpu.memory_space<hbm>>) target_semaphore(%run_scoped3A : memref<!tpu.dma_semaphore, #tpu.memory_space<semaphore_mem>>)
        %dma_wait3A_342 = arith.constant 64 : i32
        %dma_wait3A_343 = tpu.memref_slice %arg9[%mul3A_337, %dma_wait3A_342] : memref<204800x80xf32, #tpu.memory_space<hbm>> -> memref<512x16xf32, #tpu.memory_space<hbm>>
        %dma_wait3A_344 = arith.constant 64 : i32
        %dma_wait3A_345 = tpu.memref_slice %arg9[%mul3A_337, %dma_wait3A_344] : memref<204800x80xf32, #tpu.memory_space<hbm>> -> memref<512x16xf32, #tpu.memory_space<hbm>>
        tpu.wait_dma2 semaphore(%run_scoped3A : memref<!tpu.dma_semaphore, #tpu.memory_space<semaphore_mem>>) src(%arg17 : memref<512x16xf32, #tpu.memory_space<vmem>>) dst(%dma_wait3A_345 : memref<512x16xf32, #tpu.memory_space<hbm>>)
        tpu.yield
      }) : () -> ()
    }
    %while3A_13 = arith.constant 1 : i32
    scf.for %while3A_14 = %while3A_11 to %while3A_7 step %while3A_13  : i32 {
      %mul3A_15 = arith.constant 32 : i32
      %mul3A_16 = arith.muli %while3A_14, %mul3A_15 : i32
      %add3A_17 = arith.addi %add3A, %mul3A_16 : i32
      "tpu.region"() ({
        %run_scoped3A = tpu.sem_alloc : memref<!tpu.dma_semaphore, #tpu.memory_space<semaphore_mem>>
        %dma_start3A_338 = arith.constant 0 : i32
        %dma_start3A_339 = arith.constant 0 : i32
        %dma_start3A_340 = tpu.memref_slice %arg2[%add3A_17, %dma_start3A_338, %dma_start3A_339] : memref<400x4x128xi32, #tpu.memory_space<hbm>> -> memref<1x4x128xi32, #tpu.memory_space<hbm>>
        %dma_start3A_341 = tpu.memref_squeeze %dma_start3A_340 : memref<1x4x128xi32, #tpu.memory_space<hbm>> -> memref<4x128xi32, #tpu.memory_space<hbm>>
        %dma_start3A_342 = arith.constant 0 : i32
        %dma_start3A_343 = arith.constant 0 : i32
        %dma_start3A_344 = tpu.memref_slice %arg2[%add3A_17, %dma_start3A_342, %dma_start3A_343] : memref<400x4x128xi32, #tpu.memory_space<hbm>> -> memref<1x4x128xi32, #tpu.memory_space<hbm>>
        %dma_start3A_345 = tpu.memref_squeeze %dma_start3A_344 : memref<1x4x128xi32, #tpu.memory_space<hbm>> -> memref<4x128xi32, #tpu.memory_space<hbm>>
        tpu.enqueue_dma source(%dma_start3A_345 : memref<4x128xi32, #tpu.memory_space<hbm>>) target(%arg10 : memref<4x128xi32, #tpu.memory_space<vmem>>) target_semaphore(%run_scoped3A : memref<!tpu.dma_semaphore, #tpu.memory_space<semaphore_mem>>)
        %dma_wait3A_346 = arith.constant 0 : i32
        %dma_wait3A_347 = arith.constant 0 : i32
        %dma_wait3A_348 = tpu.memref_slice %arg2[%add3A_17, %dma_wait3A_346, %dma_wait3A_347] : memref<400x4x128xi32, #tpu.memory_space<hbm>> -> memref<1x4x128xi32, #tpu.memory_space<hbm>>
        %dma_wait3A_349 = tpu.memref_squeeze %dma_wait3A_348 : memref<1x4x128xi32, #tpu.memory_space<hbm>> -> memref<4x128xi32, #tpu.memory_space<hbm>>
        %dma_wait3A_350 = arith.constant 0 : i32
        %dma_wait3A_351 = arith.constant 0 : i32
        %dma_wait3A_352 = tpu.memref_slice %arg2[%add3A_17, %dma_wait3A_350, %dma_wait3A_351] : memref<400x4x128xi32, #tpu.memory_space<hbm>> -> memref<1x4x128xi32, #tpu.memory_space<hbm>>
        %dma_wait3A_353 = tpu.memref_squeeze %dma_wait3A_352 : memref<1x4x128xi32, #tpu.memory_space<hbm>> -> memref<4x128xi32, #tpu.memory_space<hbm>>
        tpu.wait_dma2 semaphore(%run_scoped3A : memref<!tpu.dma_semaphore, #tpu.memory_space<semaphore_mem>>) src(%dma_wait3A_353 : memref<4x128xi32, #tpu.memory_space<hbm>>) dst(%arg10 : memref<4x128xi32, #tpu.memory_space<vmem>>)
        tpu.yield
      }) : () -> ()
      "tpu.region"() ({
        %run_scoped3A = tpu.sem_alloc : memref<!tpu.dma_semaphore, #tpu.memory_space<semaphore_mem>>
        %dma_start3A_338 = arith.constant 0 : i32
        %dma_start3A_339 = arith.constant 0 : i32
        %dma_start3A_340 = tpu.memref_slice %arg3[%add3A_17, %dma_start3A_338, %dma_start3A_339] : memref<400x4x128xi32, #tpu.memory_space<hbm>> -> memref<1x4x128xi32, #tpu.memory_space<hbm>>
        %dma_start3A_341 = tpu.memref_squeeze %dma_start3A_340 : memref<1x4x128xi32, #tpu.memory_space<hbm>> -> memref<4x128xi32, #tpu.memory_space<hbm>>
        %dma_start3A_342 = arith.constant 0 : i32
        %dma_start3A_343 = arith.constant 0 : i32
        %dma_start3A_344 = tpu.memref_slice %arg3[%add3A_17, %dma_start3A_342, %dma_start3A_343] : memref<400x4x128xi32, #tpu.memory_space<hbm>> -> memref<1x4x128xi32, #tpu.memory_space<hbm>>
        %dma_start3A_345 = tpu.memref_squeeze %dma_start3A_344 : memref<1x4x128xi32, #tpu.memory_space<hbm>> -> memref<4x128xi32, #tpu.memory_space<hbm>>
        tpu.enqueue_dma source(%dma_start3A_345 : memref<4x128xi32, #tpu.memory_space<hbm>>) target(%arg11 : memref<4x128xi32, #tpu.memory_space<vmem>>) target_semaphore(%run_scoped3A : memref<!tpu.dma_semaphore, #tpu.memory_space<semaphore_mem>>)
        %dma_wait3A_346 = arith.constant 0 : i32
        %dma_wait3A_347 = arith.constant 0 : i32
        %dma_wait3A_348 = tpu.memref_slice %arg3[%add3A_17, %dma_wait3A_346, %dma_wait3A_347] : memref<400x4x128xi32, #tpu.memory_space<hbm>> -> memref<1x4x128xi32, #tpu.memory_space<hbm>>
        %dma_wait3A_349 = tpu.memref_squeeze %dma_wait3A_348 : memref<1x4x128xi32, #tpu.memory_space<hbm>> -> memref<4x128xi32, #tpu.memory_space<hbm>>
        %dma_wait3A_350 = arith.constant 0 : i32
        %dma_wait3A_351 = arith.constant 0 : i32
        %dma_wait3A_352 = tpu.memref_slice %arg3[%add3A_17, %dma_wait3A_350, %dma_wait3A_351] : memref<400x4x128xi32, #tpu.memory_space<hbm>> -> memref<1x4x128xi32, #tpu.memory_space<hbm>>
        %dma_wait3A_353 = tpu.memref_squeeze %dma_wait3A_352 : memref<1x4x128xi32, #tpu.memory_space<hbm>> -> memref<4x128xi32, #tpu.memory_space<hbm>>
        tpu.wait_dma2 semaphore(%run_scoped3A : memref<!tpu.dma_semaphore, #tpu.memory_space<semaphore_mem>>) src(%dma_wait3A_353 : memref<4x128xi32, #tpu.memory_space<hbm>>) dst(%arg11 : memref<4x128xi32, #tpu.memory_space<vmem>>)
        tpu.yield
      }) : () -> ()
      "tpu.region"() ({
        %run_scoped3A = tpu.sem_alloc : memref<!tpu.dma_semaphore, #tpu.memory_space<semaphore_mem>>
        %dma_start3A_338 = arith.constant 0 : i32
        %dma_start3A_339 = arith.constant 0 : i32
        %dma_start3A_340 = tpu.memref_slice %arg4[%add3A_17, %dma_start3A_338, %dma_start3A_339] : memref<400x4x128xi32, #tpu.memory_space<hbm>> -> memref<1x4x128xi32, #tpu.memory_space<hbm>>
        %dma_start3A_341 = tpu.memref_squeeze %dma_start3A_340 : memref<1x4x128xi32, #tpu.memory_space<hbm>> -> memref<4x128xi32, #tpu.memory_space<hbm>>
        %dma_start3A_342 = arith.constant 0 : i32
        %dma_start3A_343 = arith.constant 0 : i32
        %dma_start3A_344 = tpu.memref_slice %arg4[%add3A_17, %dma_start3A_342, %dma_start3A_343] : memref<400x4x128xi32, #tpu.memory_space<hbm>> -> memref<1x4x128xi32, #tpu.memory_space<hbm>>
        %dma_start3A_345 = tpu.memref_squeeze %dma_start3A_344 : memref<1x4x128xi32, #tpu.memory_space<hbm>> -> memref<4x128xi32, #tpu.memory_space<hbm>>
        tpu.enqueue_dma source(%dma_start3A_345 : memref<4x128xi32, #tpu.memory_space<hbm>>) target(%arg12 : memref<4x128xi32, #tpu.memory_space<vmem>>) target_semaphore(%run_scoped3A : memref<!tpu.dma_semaphore, #tpu.memory_space<semaphore_mem>>)
        %dma_wait3A_346 = arith.constant 0 : i32
        %dma_wait3A_347 = arith.constant 0 : i32
        %dma_wait3A_348 = tpu.memref_slice %arg4[%add3A_17, %dma_wait3A_346, %dma_wait3A_347] : memref<400x4x128xi32, #tpu.memory_space<hbm>> -> memref<1x4x128xi32, #tpu.memory_space<hbm>>
        %dma_wait3A_349 = tpu.memref_squeeze %dma_wait3A_348 : memref<1x4x128xi32, #tpu.memory_space<hbm>> -> memref<4x128xi32, #tpu.memory_space<hbm>>
        %dma_wait3A_350 = arith.constant 0 : i32
        %dma_wait3A_351 = arith.constant 0 : i32
        %dma_wait3A_352 = tpu.memref_slice %arg4[%add3A_17, %dma_wait3A_350, %dma_wait3A_351] : memref<400x4x128xi32, #tpu.memory_space<hbm>> -> memref<1x4x128xi32, #tpu.memory_space<hbm>>
        %dma_wait3A_353 = tpu.memref_squeeze %dma_wait3A_352 : memref<1x4x128xi32, #tpu.memory_space<hbm>> -> memref<4x128xi32, #tpu.memory_space<hbm>>
        tpu.wait_dma2 semaphore(%run_scoped3A : memref<!tpu.dma_semaphore, #tpu.memory_space<semaphore_mem>>) src(%dma_wait3A_353 : memref<4x128xi32, #tpu.memory_space<hbm>>) dst(%arg12 : memref<4x128xi32, #tpu.memory_space<vmem>>)
        tpu.yield
      }) : () -> ()
      "tpu.region"() ({
        %run_scoped3A = tpu.sem_alloc : memref<!tpu.dma_semaphore, #tpu.memory_space<semaphore_mem>>
        %dma_start3A_338 = arith.constant 0 : i32
        %dma_start3A_339 = arith.constant 0 : i32
        %dma_start3A_340 = tpu.memref_slice %arg5[%add3A_17, %dma_start3A_338, %dma_start3A_339] : memref<400x4x128xi32, #tpu.memory_space<hbm>> -> memref<1x4x128xi32, #tpu.memory_space<hbm>>
        %dma_start3A_341 = tpu.memref_squeeze %dma_start3A_340 : memref<1x4x128xi32, #tpu.memory_space<hbm>> -> memref<4x128xi32, #tpu.memory_space<hbm>>
        %dma_start3A_342 = arith.constant 0 : i32
        %dma_start3A_343 = arith.constant 0 : i32
        %dma_start3A_344 = tpu.memref_slice %arg5[%add3A_17, %dma_start3A_342, %dma_start3A_343] : memref<400x4x128xi32, #tpu.memory_space<hbm>> -> memref<1x4x128xi32, #tpu.memory_space<hbm>>
        %dma_start3A_345 = tpu.memref_squeeze %dma_start3A_344 : memref<1x4x128xi32, #tpu.memory_space<hbm>> -> memref<4x128xi32, #tpu.memory_space<hbm>>
        tpu.enqueue_dma source(%dma_start3A_345 : memref<4x128xi32, #tpu.memory_space<hbm>>) target(%arg13 : memref<4x128xi32, #tpu.memory_space<vmem>>) target_semaphore(%run_scoped3A : memref<!tpu.dma_semaphore, #tpu.memory_space<semaphore_mem>>)
        %dma_wait3A_346 = arith.constant 0 : i32
        %dma_wait3A_347 = arith.constant 0 : i32
        %dma_wait3A_348 = tpu.memref_slice %arg5[%add3A_17, %dma_wait3A_346, %dma_wait3A_347] : memref<400x4x128xi32, #tpu.memory_space<hbm>> -> memref<1x4x128xi32, #tpu.memory_space<hbm>>
        %dma_wait3A_349 = tpu.memref_squeeze %dma_wait3A_348 : memref<1x4x128xi32, #tpu.memory_space<hbm>> -> memref<4x128xi32, #tpu.memory_space<hbm>>
        %dma_wait3A_350 = arith.constant 0 : i32
        %dma_wait3A_351 = arith.constant 0 : i32
        %dma_wait3A_352 = tpu.memref_slice %arg5[%add3A_17, %dma_wait3A_350, %dma_wait3A_351] : memref<400x4x128xi32, #tpu.memory_space<hbm>> -> memref<1x4x128xi32, #tpu.memory_space<hbm>>
        %dma_wait3A_353 = tpu.memref_squeeze %dma_wait3A_352 : memref<1x4x128xi32, #tpu.memory_space<hbm>> -> memref<4x128xi32, #tpu.memory_space<hbm>>
        tpu.wait_dma2 semaphore(%run_scoped3A : memref<!tpu.dma_semaphore, #tpu.memory_space<semaphore_mem>>) src(%dma_wait3A_353 : memref<4x128xi32, #tpu.memory_space<hbm>>) dst(%arg13 : memref<4x128xi32, #tpu.memory_space<vmem>>)
        tpu.yield
      }) : () -> ()
      %dma_start3A = arith.constant 0 : i32
      %dma_start3A_18 = arith.constant 0 : i32
      %dma_start3A_19 = arith.constant 0 : i32
      %dma_start3A_20 = tpu.memref_slice %arg14[%dma_start3A_18, %dma_start3A_19] : memref<512x32xf32, #tpu.memory_space<vmem>> -> memref<128x32xf32, #tpu.memory_space<vmem>>
      %dma_start3A_21 = arith.constant 0 : i32
      %dma_start3A_22 = tpu.memref_slice %arg10[%dma_start3A, %dma_start3A_21] : memref<4x128xi32, #tpu.memory_space<vmem>> -> memref<1x128xi32, #tpu.memory_space<vmem>>
      %dma_start3A_23 = tpu.memref_squeeze %dma_start3A_22 : memref<1x128xi32, #tpu.memory_space<vmem>> -> memref<128xi32, #tpu.memory_space<vmem>>
      %dma_start3A_24 = arith.constant 0 : i32
      %dma_start3A_25 = arith.constant 0 : i32
      %dma_start3A_26 = tpu.memref_slice %arg6[%dma_start3A_24, %dma_start3A_25] : memref<1000x32xf32, #tpu.memory_space<hbm>> -> memref<1000x32xf32, #tpu.memory_space<hbm>>
      tpu.enqueue_indirect_dma source(%dma_start3A_26 : memref<1000x32xf32, #tpu.memory_space<hbm>>) target(%dma_start3A_20 : memref<128x32xf32, #tpu.memory_space<vmem>>) offsets(%dma_start3A_23 : memref<128xi32, #tpu.memory_space<vmem>>) semaphore(%arg18 : memref<!tpu.dma_semaphore, #tpu.memory_space<semaphore_mem>>)
      %dma_start3A_27 = arith.constant 0 : i32
      %dma_start3A_28 = arith.constant 0 : i32
      %dma_start3A_29 = arith.constant 0 : i32
      %dma_start3A_30 = tpu.memref_slice %arg15[%dma_start3A_28, %dma_start3A_29] : memref<512x16xf32, #tpu.memory_space<vmem>> -> memref<128x16xf32, #tpu.memory_space<vmem>>
      %dma_start3A_31 = arith.constant 0 : i32
      %dma_start3A_32 = tpu.memref_slice %arg11[%dma_start3A_27, %dma_start3A_31] : memref<4x128xi32, #tpu.memory_space<vmem>> -> memref<1x128xi32, #tpu.memory_space<vmem>>
      %dma_start3A_33 = tpu.memref_squeeze %dma_start3A_32 : memref<1x128xi32, #tpu.memory_space<vmem>> -> memref<128xi32, #tpu.memory_space<vmem>>
      %dma_start3A_34 = arith.constant 0 : i32
      %dma_start3A_35 = arith.constant 0 : i32
      %dma_start3A_36 = tpu.memref_slice %arg7[%dma_start3A_34, %dma_start3A_35] : memref<1440x16xf32, #tpu.memory_space<hbm>> -> memref<1440x16xf32, #tpu.memory_space<hbm>>
      tpu.enqueue_indirect_dma source(%dma_start3A_36 : memref<1440x16xf32, #tpu.memory_space<hbm>>) target(%dma_start3A_30 : memref<128x16xf32, #tpu.memory_space<vmem>>) offsets(%dma_start3A_33 : memref<128xi32, #tpu.memory_space<vmem>>) semaphore(%arg18 : memref<!tpu.dma_semaphore, #tpu.memory_space<semaphore_mem>>)
      %dma_start3A_37 = arith.constant 0 : i32
      %dma_start3A_38 = arith.constant 0 : i32
      %dma_start3A_39 = arith.constant 0 : i32
      %dma_start3A_40 = tpu.memref_slice %arg16[%dma_start3A_38, %dma_start3A_39] : memref<512x16xf32, #tpu.memory_space<vmem>> -> memref<128x16xf32, #tpu.memory_space<vmem>>
      %dma_start3A_41 = arith.constant 0 : i32
      %dma_start3A_42 = tpu.memref_slice %arg12[%dma_start3A_37, %dma_start3A_41] : memref<4x128xi32, #tpu.memory_space<vmem>> -> memref<1x128xi32, #tpu.memory_space<vmem>>
      %dma_start3A_43 = tpu.memref_squeeze %dma_start3A_42 : memref<1x128xi32, #tpu.memory_space<vmem>> -> memref<128xi32, #tpu.memory_space<vmem>>
      %dma_start3A_44 = arith.constant 0 : i32
      %dma_start3A_45 = arith.constant 0 : i32
      %dma_start3A_46 = tpu.memref_slice %arg7[%dma_start3A_44, %dma_start3A_45] : memref<1440x16xf32, #tpu.memory_space<hbm>> -> memref<1440x16xf32, #tpu.memory_space<hbm>>
      tpu.enqueue_indirect_dma source(%dma_start3A_46 : memref<1440x16xf32, #tpu.memory_space<hbm>>) target(%dma_start3A_40 : memref<128x16xf32, #tpu.memory_space<vmem>>) offsets(%dma_start3A_43 : memref<128xi32, #tpu.memory_space<vmem>>) semaphore(%arg18 : memref<!tpu.dma_semaphore, #tpu.memory_space<semaphore_mem>>)
      %dma_start3A_47 = arith.constant 0 : i32
      %dma_start3A_48 = arith.constant 0 : i32
      %dma_start3A_49 = arith.constant 0 : i32
      %dma_start3A_50 = tpu.memref_slice %arg17[%dma_start3A_48, %dma_start3A_49] : memref<512x16xf32, #tpu.memory_space<vmem>> -> memref<128x16xf32, #tpu.memory_space<vmem>>
      %dma_start3A_51 = arith.constant 0 : i32
      %dma_start3A_52 = tpu.memref_slice %arg13[%dma_start3A_47, %dma_start3A_51] : memref<4x128xi32, #tpu.memory_space<vmem>> -> memref<1x128xi32, #tpu.memory_space<vmem>>
      %dma_start3A_53 = tpu.memref_squeeze %dma_start3A_52 : memref<1x128xi32, #tpu.memory_space<vmem>> -> memref<128xi32, #tpu.memory_space<vmem>>
      %dma_start3A_54 = arith.constant 0 : i32
      %dma_start3A_55 = arith.constant 0 : i32
      %dma_start3A_56 = tpu.memref_slice %arg8[%dma_start3A_54, %dma_start3A_55] : memref<1440x16xf32, #tpu.memory_space<hbm>> -> memref<1440x16xf32, #tpu.memory_space<hbm>>
      tpu.enqueue_indirect_dma source(%dma_start3A_56 : memref<1440x16xf32, #tpu.memory_space<hbm>>) target(%dma_start3A_50 : memref<128x16xf32, #tpu.memory_space<vmem>>) offsets(%dma_start3A_53 : memref<128xi32, #tpu.memory_space<vmem>>) semaphore(%arg18 : memref<!tpu.dma_semaphore, #tpu.memory_space<semaphore_mem>>)
      %dma_start3A_57 = arith.constant 1 : i32
      %dma_start3A_58 = arith.constant 128 : i32
      %dma_start3A_59 = arith.constant 0 : i32
      %dma_start3A_60 = tpu.memref_slice %arg14[%dma_start3A_58, %dma_start3A_59] : memref<512x32xf32, #tpu.memory_space<vmem>> -> memref<128x32xf32, #tpu.memory_space<vmem>>
      %dma_start3A_61 = arith.constant 0 : i32
      %dma_start3A_62 = tpu.memref_slice %arg10[%dma_start3A_57, %dma_start3A_61] : memref<4x128xi32, #tpu.memory_space<vmem>> -> memref<1x128xi32, #tpu.memory_space<vmem>>
      %dma_start3A_63 = tpu.memref_squeeze %dma_start3A_62 : memref<1x128xi32, #tpu.memory_space<vmem>> -> memref<128xi32, #tpu.memory_space<vmem>>
      %dma_start3A_64 = arith.constant 0 : i32
      %dma_start3A_65 = arith.constant 0 : i32
      %dma_start3A_66 = tpu.memref_slice %arg6[%dma_start3A_64, %dma_start3A_65] : memref<1000x32xf32, #tpu.memory_space<hbm>> -> memref<1000x32xf32, #tpu.memory_space<hbm>>
      tpu.enqueue_indirect_dma source(%dma_start3A_66 : memref<1000x32xf32, #tpu.memory_space<hbm>>) target(%dma_start3A_60 : memref<128x32xf32, #tpu.memory_space<vmem>>) offsets(%dma_start3A_63 : memref<128xi32, #tpu.memory_space<vmem>>) semaphore(%arg18 : memref<!tpu.dma_semaphore, #tpu.memory_space<semaphore_mem>>)
      %dma_start3A_67 = arith.constant 1 : i32
      %dma_start3A_68 = arith.constant 128 : i32
      %dma_start3A_69 = arith.constant 0 : i32
      %dma_start3A_70 = tpu.memref_slice %arg15[%dma_start3A_68, %dma_start3A_69] : memref<512x16xf32, #tpu.memory_space<vmem>> -> memref<128x16xf32, #tpu.memory_space<vmem>>
      %dma_start3A_71 = arith.constant 0 : i32
      %dma_start3A_72 = tpu.memref_slice %arg11[%dma_start3A_67, %dma_start3A_71] : memref<4x128xi32, #tpu.memory_space<vmem>> -> memref<1x128xi32, #tpu.memory_space<vmem>>
      %dma_start3A_73 = tpu.memref_squeeze %dma_start3A_72 : memref<1x128xi32, #tpu.memory_space<vmem>> -> memref<128xi32, #tpu.memory_space<vmem>>
      %dma_start3A_74 = arith.constant 0 : i32
      %dma_start3A_75 = arith.constant 0 : i32
      %dma_start3A_76 = tpu.memref_slice %arg7[%dma_start3A_74, %dma_start3A_75] : memref<1440x16xf32, #tpu.memory_space<hbm>> -> memref<1440x16xf32, #tpu.memory_space<hbm>>
      tpu.enqueue_indirect_dma source(%dma_start3A_76 : memref<1440x16xf32, #tpu.memory_space<hbm>>) target(%dma_start3A_70 : memref<128x16xf32, #tpu.memory_space<vmem>>) offsets(%dma_start3A_73 : memref<128xi32, #tpu.memory_space<vmem>>) semaphore(%arg18 : memref<!tpu.dma_semaphore, #tpu.memory_space<semaphore_mem>>)
      %dma_start3A_77 = arith.constant 1 : i32
      %dma_start3A_78 = arith.constant 128 : i32
      %dma_start3A_79 = arith.constant 0 : i32
      %dma_start3A_80 = tpu.memref_slice %arg16[%dma_start3A_78, %dma_start3A_79] : memref<512x16xf32, #tpu.memory_space<vmem>> -> memref<128x16xf32, #tpu.memory_space<vmem>>
      %dma_start3A_81 = arith.constant 0 : i32
      %dma_start3A_82 = tpu.memref_slice %arg12[%dma_start3A_77, %dma_start3A_81] : memref<4x128xi32, #tpu.memory_space<vmem>> -> memref<1x128xi32, #tpu.memory_space<vmem>>
      %dma_start3A_83 = tpu.memref_squeeze %dma_start3A_82 : memref<1x128xi32, #tpu.memory_space<vmem>> -> memref<128xi32, #tpu.memory_space<vmem>>
      %dma_start3A_84 = arith.constant 0 : i32
      %dma_start3A_85 = arith.constant 0 : i32
      %dma_start3A_86 = tpu.memref_slice %arg7[%dma_start3A_84, %dma_start3A_85] : memref<1440x16xf32, #tpu.memory_space<hbm>> -> memref<1440x16xf32, #tpu.memory_space<hbm>>
      tpu.enqueue_indirect_dma source(%dma_start3A_86 : memref<1440x16xf32, #tpu.memory_space<hbm>>) target(%dma_start3A_80 : memref<128x16xf32, #tpu.memory_space<vmem>>) offsets(%dma_start3A_83 : memref<128xi32, #tpu.memory_space<vmem>>) semaphore(%arg18 : memref<!tpu.dma_semaphore, #tpu.memory_space<semaphore_mem>>)
      %dma_start3A_87 = arith.constant 1 : i32
      %dma_start3A_88 = arith.constant 128 : i32
      %dma_start3A_89 = arith.constant 0 : i32
      %dma_start3A_90 = tpu.memref_slice %arg17[%dma_start3A_88, %dma_start3A_89] : memref<512x16xf32, #tpu.memory_space<vmem>> -> memref<128x16xf32, #tpu.memory_space<vmem>>
      %dma_start3A_91 = arith.constant 0 : i32
      %dma_start3A_92 = tpu.memref_slice %arg13[%dma_start3A_87, %dma_start3A_91] : memref<4x128xi32, #tpu.memory_space<vmem>> -> memref<1x128xi32, #tpu.memory_space<vmem>>
      %dma_start3A_93 = tpu.memref_squeeze %dma_start3A_92 : memref<1x128xi32, #tpu.memory_space<vmem>> -> memref<128xi32, #tpu.memory_space<vmem>>
      %dma_start3A_94 = arith.constant 0 : i32
      %dma_start3A_95 = arith.constant 0 : i32
      %dma_start3A_96 = tpu.memref_slice %arg8[%dma_start3A_94, %dma_start3A_95] : memref<1440x16xf32, #tpu.memory_space<hbm>> -> memref<1440x16xf32, #tpu.memory_space<hbm>>
      tpu.enqueue_indirect_dma source(%dma_start3A_96 : memref<1440x16xf32, #tpu.memory_space<hbm>>) target(%dma_start3A_90 : memref<128x16xf32, #tpu.memory_space<vmem>>) offsets(%dma_start3A_93 : memref<128xi32, #tpu.memory_space<vmem>>) semaphore(%arg18 : memref<!tpu.dma_semaphore, #tpu.memory_space<semaphore_mem>>)
      %dma_start3A_97 = arith.constant 2 : i32
      %dma_start3A_98 = arith.constant 256 : i32
      %dma_start3A_99 = arith.constant 0 : i32
      %dma_start3A_100 = tpu.memref_slice %arg14[%dma_start3A_98, %dma_start3A_99] : memref<512x32xf32, #tpu.memory_space<vmem>> -> memref<128x32xf32, #tpu.memory_space<vmem>>
      %dma_start3A_101 = arith.constant 0 : i32
      %dma_start3A_102 = tpu.memref_slice %arg10[%dma_start3A_97, %dma_start3A_101] : memref<4x128xi32, #tpu.memory_space<vmem>> -> memref<1x128xi32, #tpu.memory_space<vmem>>
      %dma_start3A_103 = tpu.memref_squeeze %dma_start3A_102 : memref<1x128xi32, #tpu.memory_space<vmem>> -> memref<128xi32, #tpu.memory_space<vmem>>
      %dma_start3A_104 = arith.constant 0 : i32
      %dma_start3A_105 = arith.constant 0 : i32
      %dma_start3A_106 = tpu.memref_slice %arg6[%dma_start3A_104, %dma_start3A_105] : memref<1000x32xf32, #tpu.memory_space<hbm>> -> memref<1000x32xf32, #tpu.memory_space<hbm>>
      tpu.enqueue_indirect_dma source(%dma_start3A_106 : memref<1000x32xf32, #tpu.memory_space<hbm>>) target(%dma_start3A_100 : memref<128x32xf32, #tpu.memory_space<vmem>>) offsets(%dma_start3A_103 : memref<128xi32, #tpu.memory_space<vmem>>) semaphore(%arg18 : memref<!tpu.dma_semaphore, #tpu.memory_space<semaphore_mem>>)
      %dma_start3A_107 = arith.constant 2 : i32
      %dma_start3A_108 = arith.constant 256 : i32
      %dma_start3A_109 = arith.constant 0 : i32
      %dma_start3A_110 = tpu.memref_slice %arg15[%dma_start3A_108, %dma_start3A_109] : memref<512x16xf32, #tpu.memory_space<vmem>> -> memref<128x16xf32, #tpu.memory_space<vmem>>
      %dma_start3A_111 = arith.constant 0 : i32
      %dma_start3A_112 = tpu.memref_slice %arg11[%dma_start3A_107, %dma_start3A_111] : memref<4x128xi32, #tpu.memory_space<vmem>> -> memref<1x128xi32, #tpu.memory_space<vmem>>
      %dma_start3A_113 = tpu.memref_squeeze %dma_start3A_112 : memref<1x128xi32, #tpu.memory_space<vmem>> -> memref<128xi32, #tpu.memory_space<vmem>>
      %dma_start3A_114 = arith.constant 0 : i32
      %dma_start3A_115 = arith.constant 0 : i32
      %dma_start3A_116 = tpu.memref_slice %arg7[%dma_start3A_114, %dma_start3A_115] : memref<1440x16xf32, #tpu.memory_space<hbm>> -> memref<1440x16xf32, #tpu.memory_space<hbm>>
      tpu.enqueue_indirect_dma source(%dma_start3A_116 : memref<1440x16xf32, #tpu.memory_space<hbm>>) target(%dma_start3A_110 : memref<128x16xf32, #tpu.memory_space<vmem>>) offsets(%dma_start3A_113 : memref<128xi32, #tpu.memory_space<vmem>>) semaphore(%arg18 : memref<!tpu.dma_semaphore, #tpu.memory_space<semaphore_mem>>)
      %dma_start3A_117 = arith.constant 2 : i32
      %dma_start3A_118 = arith.constant 256 : i32
      %dma_start3A_119 = arith.constant 0 : i32
      %dma_start3A_120 = tpu.memref_slice %arg16[%dma_start3A_118, %dma_start3A_119] : memref<512x16xf32, #tpu.memory_space<vmem>> -> memref<128x16xf32, #tpu.memory_space<vmem>>
      %dma_start3A_121 = arith.constant 0 : i32
      %dma_start3A_122 = tpu.memref_slice %arg12[%dma_start3A_117, %dma_start3A_121] : memref<4x128xi32, #tpu.memory_space<vmem>> -> memref<1x128xi32, #tpu.memory_space<vmem>>
      %dma_start3A_123 = tpu.memref_squeeze %dma_start3A_122 : memref<1x128xi32, #tpu.memory_space<vmem>> -> memref<128xi32, #tpu.memory_space<vmem>>
      %dma_start3A_124 = arith.constant 0 : i32
      %dma_start3A_125 = arith.constant 0 : i32
      %dma_start3A_126 = tpu.memref_slice %arg7[%dma_start3A_124, %dma_start3A_125] : memref<1440x16xf32, #tpu.memory_space<hbm>> -> memref<1440x16xf32, #tpu.memory_space<hbm>>
      tpu.enqueue_indirect_dma source(%dma_start3A_126 : memref<1440x16xf32, #tpu.memory_space<hbm>>) target(%dma_start3A_120 : memref<128x16xf32, #tpu.memory_space<vmem>>) offsets(%dma_start3A_123 : memref<128xi32, #tpu.memory_space<vmem>>) semaphore(%arg18 : memref<!tpu.dma_semaphore, #tpu.memory_space<semaphore_mem>>)
      %dma_start3A_127 = arith.constant 2 : i32
      %dma_start3A_128 = arith.constant 256 : i32
      %dma_start3A_129 = arith.constant 0 : i32
      %dma_start3A_130 = tpu.memref_slice %arg17[%dma_start3A_128, %dma_start3A_129] : memref<512x16xf32, #tpu.memory_space<vmem>> -> memref<128x16xf32, #tpu.memory_space<vmem>>
      %dma_start3A_131 = arith.constant 0 : i32
      %dma_start3A_132 = tpu.memref_slice %arg13[%dma_start3A_127, %dma_start3A_131] : memref<4x128xi32, #tpu.memory_space<vmem>> -> memref<1x128xi32, #tpu.memory_space<vmem>>
      %dma_start3A_133 = tpu.memref_squeeze %dma_start3A_132 : memref<1x128xi32, #tpu.memory_space<vmem>> -> memref<128xi32, #tpu.memory_space<vmem>>
      %dma_start3A_134 = arith.constant 0 : i32
      %dma_start3A_135 = arith.constant 0 : i32
      %dma_start3A_136 = tpu.memref_slice %arg8[%dma_start3A_134, %dma_start3A_135] : memref<1440x16xf32, #tpu.memory_space<hbm>> -> memref<1440x16xf32, #tpu.memory_space<hbm>>
      tpu.enqueue_indirect_dma source(%dma_start3A_136 : memref<1440x16xf32, #tpu.memory_space<hbm>>) target(%dma_start3A_130 : memref<128x16xf32, #tpu.memory_space<vmem>>) offsets(%dma_start3A_133 : memref<128xi32, #tpu.memory_space<vmem>>) semaphore(%arg18 : memref<!tpu.dma_semaphore, #tpu.memory_space<semaphore_mem>>)
      %dma_start3A_137 = arith.constant 3 : i32
      %dma_start3A_138 = arith.constant 384 : i32
      %dma_start3A_139 = arith.constant 0 : i32
      %dma_start3A_140 = tpu.memref_slice %arg14[%dma_start3A_138, %dma_start3A_139] : memref<512x32xf32, #tpu.memory_space<vmem>> -> memref<128x32xf32, #tpu.memory_space<vmem>>
      %dma_start3A_141 = arith.constant 0 : i32
      %dma_start3A_142 = tpu.memref_slice %arg10[%dma_start3A_137, %dma_start3A_141] : memref<4x128xi32, #tpu.memory_space<vmem>> -> memref<1x128xi32, #tpu.memory_space<vmem>>
      %dma_start3A_143 = tpu.memref_squeeze %dma_start3A_142 : memref<1x128xi32, #tpu.memory_space<vmem>> -> memref<128xi32, #tpu.memory_space<vmem>>
      %dma_start3A_144 = arith.constant 0 : i32
      %dma_start3A_145 = arith.constant 0 : i32
      %dma_start3A_146 = tpu.memref_slice %arg6[%dma_start3A_144, %dma_start3A_145] : memref<1000x32xf32, #tpu.memory_space<hbm>> -> memref<1000x32xf32, #tpu.memory_space<hbm>>
      tpu.enqueue_indirect_dma source(%dma_start3A_146 : memref<1000x32xf32, #tpu.memory_space<hbm>>) target(%dma_start3A_140 : memref<128x32xf32, #tpu.memory_space<vmem>>) offsets(%dma_start3A_143 : memref<128xi32, #tpu.memory_space<vmem>>) semaphore(%arg18 : memref<!tpu.dma_semaphore, #tpu.memory_space<semaphore_mem>>)
      %dma_start3A_147 = arith.constant 3 : i32
      %dma_start3A_148 = arith.constant 384 : i32
      %dma_start3A_149 = arith.constant 0 : i32
      %dma_start3A_150 = tpu.memref_slice %arg15[%dma_start3A_148, %dma_start3A_149] : memref<512x16xf32, #tpu.memory_space<vmem>> -> memref<128x16xf32, #tpu.memory_space<vmem>>
      %dma_start3A_151 = arith.constant 0 : i32
      %dma_start3A_152 = tpu.memref_slice %arg11[%dma_start3A_147, %dma_start3A_151] : memref<4x128xi32, #tpu.memory_space<vmem>> -> memref<1x128xi32, #tpu.memory_space<vmem>>
      %dma_start3A_153 = tpu.memref_squeeze %dma_start3A_152 : memref<1x128xi32, #tpu.memory_space<vmem>> -> memref<128xi32, #tpu.memory_space<vmem>>
      %dma_start3A_154 = arith.constant 0 : i32
      %dma_start3A_155 = arith.constant 0 : i32
      %dma_start3A_156 = tpu.memref_slice %arg7[%dma_start3A_154, %dma_start3A_155] : memref<1440x16xf32, #tpu.memory_space<hbm>> -> memref<1440x16xf32, #tpu.memory_space<hbm>>
      tpu.enqueue_indirect_dma source(%dma_start3A_156 : memref<1440x16xf32, #tpu.memory_space<hbm>>) target(%dma_start3A_150 : memref<128x16xf32, #tpu.memory_space<vmem>>) offsets(%dma_start3A_153 : memref<128xi32, #tpu.memory_space<vmem>>) semaphore(%arg18 : memref<!tpu.dma_semaphore, #tpu.memory_space<semaphore_mem>>)
      %dma_start3A_157 = arith.constant 3 : i32
      %dma_start3A_158 = arith.constant 384 : i32
      %dma_start3A_159 = arith.constant 0 : i32
      %dma_start3A_160 = tpu.memref_slice %arg16[%dma_start3A_158, %dma_start3A_159] : memref<512x16xf32, #tpu.memory_space<vmem>> -> memref<128x16xf32, #tpu.memory_space<vmem>>
      %dma_start3A_161 = arith.constant 0 : i32
      %dma_start3A_162 = tpu.memref_slice %arg12[%dma_start3A_157, %dma_start3A_161] : memref<4x128xi32, #tpu.memory_space<vmem>> -> memref<1x128xi32, #tpu.memory_space<vmem>>
      %dma_start3A_163 = tpu.memref_squeeze %dma_start3A_162 : memref<1x128xi32, #tpu.memory_space<vmem>> -> memref<128xi32, #tpu.memory_space<vmem>>
      %dma_start3A_164 = arith.constant 0 : i32
      %dma_start3A_165 = arith.constant 0 : i32
      %dma_start3A_166 = tpu.memref_slice %arg7[%dma_start3A_164, %dma_start3A_165] : memref<1440x16xf32, #tpu.memory_space<hbm>> -> memref<1440x16xf32, #tpu.memory_space<hbm>>
      tpu.enqueue_indirect_dma source(%dma_start3A_166 : memref<1440x16xf32, #tpu.memory_space<hbm>>) target(%dma_start3A_160 : memref<128x16xf32, #tpu.memory_space<vmem>>) offsets(%dma_start3A_163 : memref<128xi32, #tpu.memory_space<vmem>>) semaphore(%arg18 : memref<!tpu.dma_semaphore, #tpu.memory_space<semaphore_mem>>)
      %dma_start3A_167 = arith.constant 3 : i32
      %dma_start3A_168 = arith.constant 384 : i32
      %dma_start3A_169 = arith.constant 0 : i32
      %dma_start3A_170 = tpu.memref_slice %arg17[%dma_start3A_168, %dma_start3A_169] : memref<512x16xf32, #tpu.memory_space<vmem>> -> memref<128x16xf32, #tpu.memory_space<vmem>>
      %dma_start3A_171 = arith.constant 0 : i32
      %dma_start3A_172 = tpu.memref_slice %arg13[%dma_start3A_167, %dma_start3A_171] : memref<4x128xi32, #tpu.memory_space<vmem>> -> memref<1x128xi32, #tpu.memory_space<vmem>>
      %dma_start3A_173 = tpu.memref_squeeze %dma_start3A_172 : memref<1x128xi32, #tpu.memory_space<vmem>> -> memref<128xi32, #tpu.memory_space<vmem>>
      %dma_start3A_174 = arith.constant 0 : i32
      %dma_start3A_175 = arith.constant 0 : i32
      %dma_start3A_176 = tpu.memref_slice %arg8[%dma_start3A_174, %dma_start3A_175] : memref<1440x16xf32, #tpu.memory_space<hbm>> -> memref<1440x16xf32, #tpu.memory_space<hbm>>
      tpu.enqueue_indirect_dma source(%dma_start3A_176 : memref<1440x16xf32, #tpu.memory_space<hbm>>) target(%dma_start3A_170 : memref<128x16xf32, #tpu.memory_space<vmem>>) offsets(%dma_start3A_173 : memref<128xi32, #tpu.memory_space<vmem>>) semaphore(%arg18 : memref<!tpu.dma_semaphore, #tpu.memory_space<semaphore_mem>>)
      %dma_wait3A = arith.constant 0 : i32
      %dma_wait3A_177 = arith.constant 0 : i32
      %dma_wait3A_178 = arith.constant 0 : i32
      %dma_wait3A_179 = tpu.memref_slice %arg14[%dma_wait3A_177, %dma_wait3A_178] : memref<512x32xf32, #tpu.memory_space<vmem>> -> memref<128x32xf32, #tpu.memory_space<vmem>>
      %dma_wait3A_180 = arith.constant 0 : i32
      %dma_wait3A_181 = tpu.memref_slice %arg10[%dma_wait3A, %dma_wait3A_180] : memref<4x128xi32, #tpu.memory_space<vmem>> -> memref<1x128xi32, #tpu.memory_space<vmem>>
      %dma_wait3A_182 = tpu.memref_squeeze %dma_wait3A_181 : memref<1x128xi32, #tpu.memory_space<vmem>> -> memref<128xi32, #tpu.memory_space<vmem>>
      %dma_wait3A_183 = arith.constant 0 : i32
      %dma_wait3A_184 = arith.constant 0 : i32
      %dma_wait3A_185 = tpu.memref_slice %arg6[%dma_wait3A_183, %dma_wait3A_184] : memref<1000x32xf32, #tpu.memory_space<hbm>> -> memref<1000x32xf32, #tpu.memory_space<hbm>>
      tpu.wait_indirect_dma semaphore(%arg18 : memref<!tpu.dma_semaphore, #tpu.memory_space<semaphore_mem>>) src(%dma_wait3A_185 : memref<1000x32xf32, #tpu.memory_space<hbm>>) dst(%dma_wait3A_179 : memref<128x32xf32, #tpu.memory_space<vmem>>)
      %dma_wait3A_186 = arith.constant 0 : i32
      %dma_wait3A_187 = arith.constant 0 : i32
      %dma_wait3A_188 = arith.constant 0 : i32
      %dma_wait3A_189 = tpu.memref_slice %arg15[%dma_wait3A_187, %dma_wait3A_188] : memref<512x16xf32, #tpu.memory_space<vmem>> -> memref<128x16xf32, #tpu.memory_space<vmem>>
      %dma_wait3A_190 = arith.constant 0 : i32
      %dma_wait3A_191 = tpu.memref_slice %arg11[%dma_wait3A_186, %dma_wait3A_190] : memref<4x128xi32, #tpu.memory_space<vmem>> -> memref<1x128xi32, #tpu.memory_space<vmem>>
      %dma_wait3A_192 = tpu.memref_squeeze %dma_wait3A_191 : memref<1x128xi32, #tpu.memory_space<vmem>> -> memref<128xi32, #tpu.memory_space<vmem>>
      %dma_wait3A_193 = arith.constant 0 : i32
      %dma_wait3A_194 = arith.constant 0 : i32
      %dma_wait3A_195 = tpu.memref_slice %arg7[%dma_wait3A_193, %dma_wait3A_194] : memref<1440x16xf32, #tpu.memory_space<hbm>> -> memref<1440x16xf32, #tpu.memory_space<hbm>>
      tpu.wait_indirect_dma semaphore(%arg18 : memref<!tpu.dma_semaphore, #tpu.memory_space<semaphore_mem>>) src(%dma_wait3A_195 : memref<1440x16xf32, #tpu.memory_space<hbm>>) dst(%dma_wait3A_189 : memref<128x16xf32, #tpu.memory_space<vmem>>)
      %dma_wait3A_196 = arith.constant 0 : i32
      %dma_wait3A_197 = arith.constant 0 : i32
      %dma_wait3A_198 = arith.constant 0 : i32
      %dma_wait3A_199 = tpu.memref_slice %arg16[%dma_wait3A_197, %dma_wait3A_198] : memref<512x16xf32, #tpu.memory_space<vmem>> -> memref<128x16xf32, #tpu.memory_space<vmem>>
      %dma_wait3A_200 = arith.constant 0 : i32
      %dma_wait3A_201 = tpu.memref_slice %arg12[%dma_wait3A_196, %dma_wait3A_200] : memref<4x128xi32, #tpu.memory_space<vmem>> -> memref<1x128xi32, #tpu.memory_space<vmem>>
      %dma_wait3A_202 = tpu.memref_squeeze %dma_wait3A_201 : memref<1x128xi32, #tpu.memory_space<vmem>> -> memref<128xi32, #tpu.memory_space<vmem>>
      %dma_wait3A_203 = arith.constant 0 : i32
      %dma_wait3A_204 = arith.constant 0 : i32
      %dma_wait3A_205 = tpu.memref_slice %arg7[%dma_wait3A_203, %dma_wait3A_204] : memref<1440x16xf32, #tpu.memory_space<hbm>> -> memref<1440x16xf32, #tpu.memory_space<hbm>>
      tpu.wait_indirect_dma semaphore(%arg18 : memref<!tpu.dma_semaphore, #tpu.memory_space<semaphore_mem>>) src(%dma_wait3A_205 : memref<1440x16xf32, #tpu.memory_space<hbm>>) dst(%dma_wait3A_199 : memref<128x16xf32, #tpu.memory_space<vmem>>)
      %dma_wait3A_206 = arith.constant 0 : i32
      %dma_wait3A_207 = arith.constant 0 : i32
      %dma_wait3A_208 = arith.constant 0 : i32
      %dma_wait3A_209 = tpu.memref_slice %arg17[%dma_wait3A_207, %dma_wait3A_208] : memref<512x16xf32, #tpu.memory_space<vmem>> -> memref<128x16xf32, #tpu.memory_space<vmem>>
      %dma_wait3A_210 = arith.constant 0 : i32
      %dma_wait3A_211 = tpu.memref_slice %arg13[%dma_wait3A_206, %dma_wait3A_210] : memref<4x128xi32, #tpu.memory_space<vmem>> -> memref<1x128xi32, #tpu.memory_space<vmem>>
      %dma_wait3A_212 = tpu.memref_squeeze %dma_wait3A_211 : memref<1x128xi32, #tpu.memory_space<vmem>> -> memref<128xi32, #tpu.memory_space<vmem>>
      %dma_wait3A_213 = arith.constant 0 : i32
      %dma_wait3A_214 = arith.constant 0 : i32
      %dma_wait3A_215 = tpu.memref_slice %arg8[%dma_wait3A_213, %dma_wait3A_214] : memref<1440x16xf32, #tpu.memory_space<hbm>> -> memref<1440x16xf32, #tpu.memory_space<hbm>>
      tpu.wait_indirect_dma semaphore(%arg18 : memref<!tpu.dma_semaphore, #tpu.memory_space<semaphore_mem>>) src(%dma_wait3A_215 : memref<1440x16xf32, #tpu.memory_space<hbm>>) dst(%dma_wait3A_209 : memref<128x16xf32, #tpu.memory_space<vmem>>)
      %dma_wait3A_216 = arith.constant 1 : i32
      %dma_wait3A_217 = arith.constant 128 : i32
      %dma_wait3A_218 = arith.constant 0 : i32
      %dma_wait3A_219 = tpu.memref_slice %arg14[%dma_wait3A_217, %dma_wait3A_218] : memref<512x32xf32, #tpu.memory_space<vmem>> -> memref<128x32xf32, #tpu.memory_space<vmem>>
      %dma_wait3A_220 = arith.constant 0 : i32
      %dma_wait3A_221 = tpu.memref_slice %arg10[%dma_wait3A_216, %dma_wait3A_220] : memref<4x128xi32, #tpu.memory_space<vmem>> -> memref<1x128xi32, #tpu.memory_space<vmem>>
      %dma_wait3A_222 = tpu.memref_squeeze %dma_wait3A_221 : memref<1x128xi32, #tpu.memory_space<vmem>> -> memref<128xi32, #tpu.memory_space<vmem>>
      %dma_wait3A_223 = arith.constant 0 : i32
      %dma_wait3A_224 = arith.constant 0 : i32
      %dma_wait3A_225 = tpu.memref_slice %arg6[%dma_wait3A_223, %dma_wait3A_224] : memref<1000x32xf32, #tpu.memory_space<hbm>> -> memref<1000x32xf32, #tpu.memory_space<hbm>>
      tpu.wait_indirect_dma semaphore(%arg18 : memref<!tpu.dma_semaphore, #tpu.memory_space<semaphore_mem>>) src(%dma_wait3A_225 : memref<1000x32xf32, #tpu.memory_space<hbm>>) dst(%dma_wait3A_219 : memref<128x32xf32, #tpu.memory_space<vmem>>)
      %dma_wait3A_226 = arith.constant 1 : i32
      %dma_wait3A_227 = arith.constant 128 : i32
      %dma_wait3A_228 = arith.constant 0 : i32
      %dma_wait3A_229 = tpu.memref_slice %arg15[%dma_wait3A_227, %dma_wait3A_228] : memref<512x16xf32, #tpu.memory_space<vmem>> -> memref<128x16xf32, #tpu.memory_space<vmem>>
      %dma_wait3A_230 = arith.constant 0 : i32
      %dma_wait3A_231 = tpu.memref_slice %arg11[%dma_wait3A_226, %dma_wait3A_230] : memref<4x128xi32, #tpu.memory_space<vmem>> -> memref<1x128xi32, #tpu.memory_space<vmem>>
      %dma_wait3A_232 = tpu.memref_squeeze %dma_wait3A_231 : memref<1x128xi32, #tpu.memory_space<vmem>> -> memref<128xi32, #tpu.memory_space<vmem>>
      %dma_wait3A_233 = arith.constant 0 : i32
      %dma_wait3A_234 = arith.constant 0 : i32
      %dma_wait3A_235 = tpu.memref_slice %arg7[%dma_wait3A_233, %dma_wait3A_234] : memref<1440x16xf32, #tpu.memory_space<hbm>> -> memref<1440x16xf32, #tpu.memory_space<hbm>>
      tpu.wait_indirect_dma semaphore(%arg18 : memref<!tpu.dma_semaphore, #tpu.memory_space<semaphore_mem>>) src(%dma_wait3A_235 : memref<1440x16xf32, #tpu.memory_space<hbm>>) dst(%dma_wait3A_229 : memref<128x16xf32, #tpu.memory_space<vmem>>)
      %dma_wait3A_236 = arith.constant 1 : i32
      %dma_wait3A_237 = arith.constant 128 : i32
      %dma_wait3A_238 = arith.constant 0 : i32
      %dma_wait3A_239 = tpu.memref_slice %arg16[%dma_wait3A_237, %dma_wait3A_238] : memref<512x16xf32, #tpu.memory_space<vmem>> -> memref<128x16xf32, #tpu.memory_space<vmem>>
      %dma_wait3A_240 = arith.constant 0 : i32
      %dma_wait3A_241 = tpu.memref_slice %arg12[%dma_wait3A_236, %dma_wait3A_240] : memref<4x128xi32, #tpu.memory_space<vmem>> -> memref<1x128xi32, #tpu.memory_space<vmem>>
      %dma_wait3A_242 = tpu.memref_squeeze %dma_wait3A_241 : memref<1x128xi32, #tpu.memory_space<vmem>> -> memref<128xi32, #tpu.memory_space<vmem>>
      %dma_wait3A_243 = arith.constant 0 : i32
      %dma_wait3A_244 = arith.constant 0 : i32
      %dma_wait3A_245 = tpu.memref_slice %arg7[%dma_wait3A_243, %dma_wait3A_244] : memref<1440x16xf32, #tpu.memory_space<hbm>> -> memref<1440x16xf32, #tpu.memory_space<hbm>>
      tpu.wait_indirect_dma semaphore(%arg18 : memref<!tpu.dma_semaphore, #tpu.memory_space<semaphore_mem>>) src(%dma_wait3A_245 : memref<1440x16xf32, #tpu.memory_space<hbm>>) dst(%dma_wait3A_239 : memref<128x16xf32, #tpu.memory_space<vmem>>)
      %dma_wait3A_246 = arith.constant 1 : i32
      %dma_wait3A_247 = arith.constant 128 : i32
      %dma_wait3A_248 = arith.constant 0 : i32
      %dma_wait3A_249 = tpu.memref_slice %arg17[%dma_wait3A_247, %dma_wait3A_248] : memref<512x16xf32, #tpu.memory_space<vmem>> -> memref<128x16xf32, #tpu.memory_space<vmem>>
      %dma_wait3A_250 = arith.constant 0 : i32
      %dma_wait3A_251 = tpu.memref_slice %arg13[%dma_wait3A_246, %dma_wait3A_250] : memref<4x128xi32, #tpu.memory_space<vmem>> -> memref<1x128xi32, #tpu.memory_space<vmem>>
      %dma_wait3A_252 = tpu.memref_squeeze %dma_wait3A_251 : memref<1x128xi32, #tpu.memory_space<vmem>> -> memref<128xi32, #tpu.memory_space<vmem>>
      %dma_wait3A_253 = arith.constant 0 : i32
      %dma_wait3A_254 = arith.constant 0 : i32
      %dma_wait3A_255 = tpu.memref_slice %arg8[%dma_wait3A_253, %dma_wait3A_254] : memref<1440x16xf32, #tpu.memory_space<hbm>> -> memref<1440x16xf32, #tpu.memory_space<hbm>>
      tpu.wait_indirect_dma semaphore(%arg18 : memref<!tpu.dma_semaphore, #tpu.memory_space<semaphore_mem>>) src(%dma_wait3A_255 : memref<1440x16xf32, #tpu.memory_space<hbm>>) dst(%dma_wait3A_249 : memref<128x16xf32, #tpu.memory_space<vmem>>)
      %dma_wait3A_256 = arith.constant 2 : i32
      %dma_wait3A_257 = arith.constant 256 : i32
      %dma_wait3A_258 = arith.constant 0 : i32
      %dma_wait3A_259 = tpu.memref_slice %arg14[%dma_wait3A_257, %dma_wait3A_258] : memref<512x32xf32, #tpu.memory_space<vmem>> -> memref<128x32xf32, #tpu.memory_space<vmem>>
      %dma_wait3A_260 = arith.constant 0 : i32
      %dma_wait3A_261 = tpu.memref_slice %arg10[%dma_wait3A_256, %dma_wait3A_260] : memref<4x128xi32, #tpu.memory_space<vmem>> -> memref<1x128xi32, #tpu.memory_space<vmem>>
      %dma_wait3A_262 = tpu.memref_squeeze %dma_wait3A_261 : memref<1x128xi32, #tpu.memory_space<vmem>> -> memref<128xi32, #tpu.memory_space<vmem>>
      %dma_wait3A_263 = arith.constant 0 : i32
      %dma_wait3A_264 = arith.constant 0 : i32
      %dma_wait3A_265 = tpu.memref_slice %arg6[%dma_wait3A_263, %dma_wait3A_264] : memref<1000x32xf32, #tpu.memory_space<hbm>> -> memref<1000x32xf32, #tpu.memory_space<hbm>>
      tpu.wait_indirect_dma semaphore(%arg18 : memref<!tpu.dma_semaphore, #tpu.memory_space<semaphore_mem>>) src(%dma_wait3A_265 : memref<1000x32xf32, #tpu.memory_space<hbm>>) dst(%dma_wait3A_259 : memref<128x32xf32, #tpu.memory_space<vmem>>)
      %dma_wait3A_266 = arith.constant 2 : i32
      %dma_wait3A_267 = arith.constant 256 : i32
      %dma_wait3A_268 = arith.constant 0 : i32
      %dma_wait3A_269 = tpu.memref_slice %arg15[%dma_wait3A_267, %dma_wait3A_268] : memref<512x16xf32, #tpu.memory_space<vmem>> -> memref<128x16xf32, #tpu.memory_space<vmem>>
      %dma_wait3A_270 = arith.constant 0 : i32
      %dma_wait3A_271 = tpu.memref_slice %arg11[%dma_wait3A_266, %dma_wait3A_270] : memref<4x128xi32, #tpu.memory_space<vmem>> -> memref<1x128xi32, #tpu.memory_space<vmem>>
      %dma_wait3A_272 = tpu.memref_squeeze %dma_wait3A_271 : memref<1x128xi32, #tpu.memory_space<vmem>> -> memref<128xi32, #tpu.memory_space<vmem>>
      %dma_wait3A_273 = arith.constant 0 : i32
      %dma_wait3A_274 = arith.constant 0 : i32
      %dma_wait3A_275 = tpu.memref_slice %arg7[%dma_wait3A_273, %dma_wait3A_274] : memref<1440x16xf32, #tpu.memory_space<hbm>> -> memref<1440x16xf32, #tpu.memory_space<hbm>>
      tpu.wait_indirect_dma semaphore(%arg18 : memref<!tpu.dma_semaphore, #tpu.memory_space<semaphore_mem>>) src(%dma_wait3A_275 : memref<1440x16xf32, #tpu.memory_space<hbm>>) dst(%dma_wait3A_269 : memref<128x16xf32, #tpu.memory_space<vmem>>)
      %dma_wait3A_276 = arith.constant 2 : i32
      %dma_wait3A_277 = arith.constant 256 : i32
      %dma_wait3A_278 = arith.constant 0 : i32
      %dma_wait3A_279 = tpu.memref_slice %arg16[%dma_wait3A_277, %dma_wait3A_278] : memref<512x16xf32, #tpu.memory_space<vmem>> -> memref<128x16xf32, #tpu.memory_space<vmem>>
      %dma_wait3A_280 = arith.constant 0 : i32
      %dma_wait3A_281 = tpu.memref_slice %arg12[%dma_wait3A_276, %dma_wait3A_280] : memref<4x128xi32, #tpu.memory_space<vmem>> -> memref<1x128xi32, #tpu.memory_space<vmem>>
      %dma_wait3A_282 = tpu.memref_squeeze %dma_wait3A_281 : memref<1x128xi32, #tpu.memory_space<vmem>> -> memref<128xi32, #tpu.memory_space<vmem>>
      %dma_wait3A_283 = arith.constant 0 : i32
      %dma_wait3A_284 = arith.constant 0 : i32
      %dma_wait3A_285 = tpu.memref_slice %arg7[%dma_wait3A_283, %dma_wait3A_284] : memref<1440x16xf32, #tpu.memory_space<hbm>> -> memref<1440x16xf32, #tpu.memory_space<hbm>>
      tpu.wait_indirect_dma semaphore(%arg18 : memref<!tpu.dma_semaphore, #tpu.memory_space<semaphore_mem>>) src(%dma_wait3A_285 : memref<1440x16xf32, #tpu.memory_space<hbm>>) dst(%dma_wait3A_279 : memref<128x16xf32, #tpu.memory_space<vmem>>)
      %dma_wait3A_286 = arith.constant 2 : i32
      %dma_wait3A_287 = arith.constant 256 : i32
      %dma_wait3A_288 = arith.constant 0 : i32
      %dma_wait3A_289 = tpu.memref_slice %arg17[%dma_wait3A_287, %dma_wait3A_288] : memref<512x16xf32, #tpu.memory_space<vmem>> -> memref<128x16xf32, #tpu.memory_space<vmem>>
      %dma_wait3A_290 = arith.constant 0 : i32
      %dma_wait3A_291 = tpu.memref_slice %arg13[%dma_wait3A_286, %dma_wait3A_290] : memref<4x128xi32, #tpu.memory_space<vmem>> -> memref<1x128xi32, #tpu.memory_space<vmem>>
      %dma_wait3A_292 = tpu.memref_squeeze %dma_wait3A_291 : memref<1x128xi32, #tpu.memory_space<vmem>> -> memref<128xi32, #tpu.memory_space<vmem>>
      %dma_wait3A_293 = arith.constant 0 : i32
      %dma_wait3A_294 = arith.constant 0 : i32
      %dma_wait3A_295 = tpu.memref_slice %arg8[%dma_wait3A_293, %dma_wait3A_294] : memref<1440x16xf32, #tpu.memory_space<hbm>> -> memref<1440x16xf32, #tpu.memory_space<hbm>>
      tpu.wait_indirect_dma semaphore(%arg18 : memref<!tpu.dma_semaphore, #tpu.memory_space<semaphore_mem>>) src(%dma_wait3A_295 : memref<1440x16xf32, #tpu.memory_space<hbm>>) dst(%dma_wait3A_289 : memref<128x16xf32, #tpu.memory_space<vmem>>)
      %dma_wait3A_296 = arith.constant 3 : i32
      %dma_wait3A_297 = arith.constant 384 : i32
      %dma_wait3A_298 = arith.constant 0 : i32
      %dma_wait3A_299 = tpu.memref_slice %arg14[%dma_wait3A_297, %dma_wait3A_298] : memref<512x32xf32, #tpu.memory_space<vmem>> -> memref<128x32xf32, #tpu.memory_space<vmem>>
      %dma_wait3A_300 = arith.constant 0 : i32
      %dma_wait3A_301 = tpu.memref_slice %arg10[%dma_wait3A_296, %dma_wait3A_300] : memref<4x128xi32, #tpu.memory_space<vmem>> -> memref<1x128xi32, #tpu.memory_space<vmem>>
      %dma_wait3A_302 = tpu.memref_squeeze %dma_wait3A_301 : memref<1x128xi32, #tpu.memory_space<vmem>> -> memref<128xi32, #tpu.memory_space<vmem>>
      %dma_wait3A_303 = arith.constant 0 : i32
      %dma_wait3A_304 = arith.constant 0 : i32
      %dma_wait3A_305 = tpu.memref_slice %arg6[%dma_wait3A_303, %dma_wait3A_304] : memref<1000x32xf32, #tpu.memory_space<hbm>> -> memref<1000x32xf32, #tpu.memory_space<hbm>>
      tpu.wait_indirect_dma semaphore(%arg18 : memref<!tpu.dma_semaphore, #tpu.memory_space<semaphore_mem>>) src(%dma_wait3A_305 : memref<1000x32xf32, #tpu.memory_space<hbm>>) dst(%dma_wait3A_299 : memref<128x32xf32, #tpu.memory_space<vmem>>)
      %dma_wait3A_306 = arith.constant 3 : i32
      %dma_wait3A_307 = arith.constant 384 : i32
      %dma_wait3A_308 = arith.constant 0 : i32
      %dma_wait3A_309 = tpu.memref_slice %arg15[%dma_wait3A_307, %dma_wait3A_308] : memref<512x16xf32, #tpu.memory_space<vmem>> -> memref<128x16xf32, #tpu.memory_space<vmem>>
      %dma_wait3A_310 = arith.constant 0 : i32
      %dma_wait3A_311 = tpu.memref_slice %arg11[%dma_wait3A_306, %dma_wait3A_310] : memref<4x128xi32, #tpu.memory_space<vmem>> -> memref<1x128xi32, #tpu.memory_space<vmem>>
      %dma_wait3A_312 = tpu.memref_squeeze %dma_wait3A_311 : memref<1x128xi32, #tpu.memory_space<vmem>> -> memref<128xi32, #tpu.memory_space<vmem>>
      %dma_wait3A_313 = arith.constant 0 : i32
      %dma_wait3A_314 = arith.constant 0 : i32
      %dma_wait3A_315 = tpu.memref_slice %arg7[%dma_wait3A_313, %dma_wait3A_314] : memref<1440x16xf32, #tpu.memory_space<hbm>> -> memref<1440x16xf32, #tpu.memory_space<hbm>>
      tpu.wait_indirect_dma semaphore(%arg18 : memref<!tpu.dma_semaphore, #tpu.memory_space<semaphore_mem>>) src(%dma_wait3A_315 : memref<1440x16xf32, #tpu.memory_space<hbm>>) dst(%dma_wait3A_309 : memref<128x16xf32, #tpu.memory_space<vmem>>)
      %dma_wait3A_316 = arith.constant 3 : i32
      %dma_wait3A_317 = arith.constant 384 : i32
      %dma_wait3A_318 = arith.constant 0 : i32
      %dma_wait3A_319 = tpu.memref_slice %arg16[%dma_wait3A_317, %dma_wait3A_318] : memref<512x16xf32, #tpu.memory_space<vmem>> -> memref<128x16xf32, #tpu.memory_space<vmem>>
      %dma_wait3A_320 = arith.constant 0 : i32
      %dma_wait3A_321 = tpu.memref_slice %arg12[%dma_wait3A_316, %dma_wait3A_320] : memref<4x128xi32, #tpu.memory_space<vmem>> -> memref<1x128xi32, #tpu.memory_space<vmem>>
      %dma_wait3A_322 = tpu.memref_squeeze %dma_wait3A_321 : memref<1x128xi32, #tpu.memory_space<vmem>> -> memref<128xi32, #tpu.memory_space<vmem>>
      %dma_wait3A_323 = arith.constant 0 : i32
      %dma_wait3A_324 = arith.constant 0 : i32
      %dma_wait3A_325 = tpu.memref_slice %arg7[%dma_wait3A_323, %dma_wait3A_324] : memref<1440x16xf32, #tpu.memory_space<hbm>> -> memref<1440x16xf32, #tpu.memory_space<hbm>>
      tpu.wait_indirect_dma semaphore(%arg18 : memref<!tpu.dma_semaphore, #tpu.memory_space<semaphore_mem>>) src(%dma_wait3A_325 : memref<1440x16xf32, #tpu.memory_space<hbm>>) dst(%dma_wait3A_319 : memref<128x16xf32, #tpu.memory_space<vmem>>)
      %dma_wait3A_326 = arith.constant 3 : i32
      %dma_wait3A_327 = arith.constant 384 : i32
      %dma_wait3A_328 = arith.constant 0 : i32
      %dma_wait3A_329 = tpu.memref_slice %arg17[%dma_wait3A_327, %dma_wait3A_328] : memref<512x16xf32, #tpu.memory_space<vmem>> -> memref<128x16xf32, #tpu.memory_space<vmem>>
      %dma_wait3A_330 = arith.constant 0 : i32
      %dma_wait3A_331 = tpu.memref_slice %arg13[%dma_wait3A_326, %dma_wait3A_330] : memref<4x128xi32, #tpu.memory_space<vmem>> -> memref<1x128xi32, #tpu.memory_space<vmem>>
      %dma_wait3A_332 = tpu.memref_squeeze %dma_wait3A_331 : memref<1x128xi32, #tpu.memory_space<vmem>> -> memref<128xi32, #tpu.memory_space<vmem>>
      %dma_wait3A_333 = arith.constant 0 : i32
      %dma_wait3A_334 = arith.constant 0 : i32
      %dma_wait3A_335 = tpu.memref_slice %arg8[%dma_wait3A_333, %dma_wait3A_334] : memref<1440x16xf32, #tpu.memory_space<hbm>> -> memref<1440x16xf32, #tpu.memory_space<hbm>>
      tpu.wait_indirect_dma semaphore(%arg18 : memref<!tpu.dma_semaphore, #tpu.memory_space<semaphore_mem>>) src(%dma_wait3A_335 : memref<1440x16xf32, #tpu.memory_space<hbm>>) dst(%dma_wait3A_329 : memref<128x16xf32, #tpu.memory_space<vmem>>)
      %mul3A_336 = arith.constant 512 : i32
      %mul3A_337 = arith.muli %add3A_17, %mul3A_336 : i32
      "tpu.region"() ({
        %run_scoped3A = tpu.sem_alloc : memref<!tpu.dma_semaphore, #tpu.memory_space<semaphore_mem>>
        %dma_start3A_338 = arith.constant 0 : i32
        %dma_start3A_339 = tpu.memref_slice %arg9[%mul3A_337, %dma_start3A_338] : memref<204800x80xf32, #tpu.memory_space<hbm>> -> memref<512x32xf32, #tpu.memory_space<hbm>>
        %dma_start3A_340 = arith.constant 0 : i32
        %dma_start3A_341 = tpu.memref_slice %arg9[%mul3A_337, %dma_start3A_340] : memref<204800x80xf32, #tpu.memory_space<hbm>> -> memref<512x32xf32, #tpu.memory_space<hbm>>
        tpu.enqueue_dma source(%arg14 : memref<512x32xf32, #tpu.memory_space<vmem>>) target(%dma_start3A_341 : memref<512x32xf32, #tpu.memory_space<hbm>>) target_semaphore(%run_scoped3A : memref<!tpu.dma_semaphore, #tpu.memory_space<semaphore_mem>>)
        %dma_wait3A_342 = arith.constant 0 : i32
        %dma_wait3A_343 = tpu.memref_slice %arg9[%mul3A_337, %dma_wait3A_342] : memref<204800x80xf32, #tpu.memory_space<hbm>> -> memref<512x32xf32, #tpu.memory_space<hbm>>
        %dma_wait3A_344 = arith.constant 0 : i32
        %dma_wait3A_345 = tpu.memref_slice %arg9[%mul3A_337, %dma_wait3A_344] : memref<204800x80xf32, #tpu.memory_space<hbm>> -> memref<512x32xf32, #tpu.memory_space<hbm>>
        tpu.wait_dma2 semaphore(%run_scoped3A : memref<!tpu.dma_semaphore, #tpu.memory_space<semaphore_mem>>) src(%arg14 : memref<512x32xf32, #tpu.memory_space<vmem>>) dst(%dma_wait3A_345 : memref<512x32xf32, #tpu.memory_space<hbm>>)
        tpu.yield
      }) : () -> ()
      "tpu.region"() ({
        %run_scoped3A = tpu.sem_alloc : memref<!tpu.dma_semaphore, #tpu.memory_space<semaphore_mem>>
        %dma_start3A_338 = arith.constant 32 : i32
        %dma_start3A_339 = tpu.memref_slice %arg9[%mul3A_337, %dma_start3A_338] : memref<204800x80xf32, #tpu.memory_space<hbm>> -> memref<512x16xf32, #tpu.memory_space<hbm>>
        %dma_start3A_340 = arith.constant 32 : i32
        %dma_start3A_341 = tpu.memref_slice %arg9[%mul3A_337, %dma_start3A_340] : memref<204800x80xf32, #tpu.memory_space<hbm>> -> memref<512x16xf32, #tpu.memory_space<hbm>>
        tpu.enqueue_dma source(%arg15 : memref<512x16xf32, #tpu.memory_space<vmem>>) target(%dma_start3A_341 : memref<512x16xf32, #tpu.memory_space<hbm>>) target_semaphore(%run_scoped3A : memref<!tpu.dma_semaphore, #tpu.memory_space<semaphore_mem>>)
        %dma_wait3A_342 = arith.constant 32 : i32
        %dma_wait3A_343 = tpu.memref_slice %arg9[%mul3A_337, %dma_wait3A_342] : memref<204800x80xf32, #tpu.memory_space<hbm>> -> memref<512x16xf32, #tpu.memory_space<hbm>>
        %dma_wait3A_344 = arith.constant 32 : i32
        %dma_wait3A_345 = tpu.memref_slice %arg9[%mul3A_337, %dma_wait3A_344] : memref<204800x80xf32, #tpu.memory_space<hbm>> -> memref<512x16xf32, #tpu.memory_space<hbm>>
        tpu.wait_dma2 semaphore(%run_scoped3A : memref<!tpu.dma_semaphore, #tpu.memory_space<semaphore_mem>>) src(%arg15 : memref<512x16xf32, #tpu.memory_space<vmem>>) dst(%dma_wait3A_345 : memref<512x16xf32, #tpu.memory_space<hbm>>)
        tpu.yield
      }) : () -> ()
      "tpu.region"() ({
        %run_scoped3A = tpu.sem_alloc : memref<!tpu.dma_semaphore, #tpu.memory_space<semaphore_mem>>
        %dma_start3A_338 = arith.constant 48 : i32
        %dma_start3A_339 = tpu.memref_slice %arg9[%mul3A_337, %dma_start3A_338] : memref<204800x80xf32, #tpu.memory_space<hbm>> -> memref<512x16xf32, #tpu.memory_space<hbm>>
        %dma_start3A_340 = arith.constant 48 : i32
        %dma_start3A_341 = tpu.memref_slice %arg9[%mul3A_337, %dma_start3A_340] : memref<204800x80xf32, #tpu.memory_space<hbm>> -> memref<512x16xf32, #tpu.memory_space<hbm>>
        tpu.enqueue_dma source(%arg16 : memref<512x16xf32, #tpu.memory_space<vmem>>) target(%dma_start3A_341 : memref<512x16xf32, #tpu.memory_space<hbm>>) target_semaphore(%run_scoped3A : memref<!tpu.dma_semaphore, #tpu.memory_space<semaphore_mem>>)
        %dma_wait3A_342 = arith.constant 48 : i32
        %dma_wait3A_343 = tpu.memref_slice %arg9[%mul3A_337, %dma_wait3A_342] : memref<204800x80xf32, #tpu.memory_space<hbm>> -> memref<512x16xf32, #tpu.memory_space<hbm>>
        %dma_wait3A_344 = arith.constant 48 : i32
        %dma_wait3A_345 = tpu.memref_slice %arg9[%mul3A_337, %dma_wait3A_344] : memref<204800x80xf32, #tpu.memory_space<hbm>> -> memref<512x16xf32, #tpu.memory_space<hbm>>
        tpu.wait_dma2 semaphore(%run_scoped3A : memref<!tpu.dma_semaphore, #tpu.memory_space<semaphore_mem>>) src(%arg16 : memref<512x16xf32, #tpu.memory_space<vmem>>) dst(%dma_wait3A_345 : memref<512x16xf32, #tpu.memory_space<hbm>>)
        tpu.yield
      }) : () -> ()
      "tpu.region"() ({
        %run_scoped3A = tpu.sem_alloc : memref<!tpu.dma_semaphore, #tpu.memory_space<semaphore_mem>>
        %dma_start3A_338 = arith.constant 64 : i32
        %dma_start3A_339 = tpu.memref_slice %arg9[%mul3A_337, %dma_start3A_338] : memref<204800x80xf32, #tpu.memory_space<hbm>> -> memref<512x16xf32, #tpu.memory_space<hbm>>
        %dma_start3A_340 = arith.constant 64 : i32
        %dma_start3A_341 = tpu.memref_slice %arg9[%mul3A_337, %dma_start3A_340] : memref<204800x80xf32, #tpu.memory_space<hbm>> -> memref<512x16xf32, #tpu.memory_space<hbm>>
        tpu.enqueue_dma source(%arg17 : memref<512x16xf32, #tpu.memory_space<vmem>>) target(%dma_start3A_341 : memref<512x16xf32, #tpu.memory_space<hbm>>) target_semaphore(%run_scoped3A : memref<!tpu.dma_semaphore, #tpu.memory_space<semaphore_mem>>)
        %dma_wait3A_342 = arith.constant 64 : i32
        %dma_wait3A_343 = tpu.memref_slice %arg9[%mul3A_337, %dma_wait3A_342] : memref<204800x80xf32, #tpu.memory_space<hbm>> -> memref<512x16xf32, #tpu.memory_space<hbm>>
        %dma_wait3A_344 = arith.constant 64 : i32
        %dma_wait3A_345 = tpu.memref_slice %arg9[%mul3A_337, %dma_wait3A_344] : memref<204800x80xf32, #tpu.memory_space<hbm>> -> memref<512x16xf32, #tpu.memory_space<hbm>>
        tpu.wait_dma2 semaphore(%run_scoped3A : memref<!tpu.dma_semaphore, #tpu.memory_space<semaphore_mem>>) src(%arg17 : memref<512x16xf32, #tpu.memory_space<vmem>>) dst(%dma_wait3A_345 : memref<512x16xf32, #tpu.memory_space<hbm>>)
        tpu.yield
      }) : () -> ()
    }
    return
  }
}

module attributes {stable_mosaic.version = 14 : i64} {
  func.func @_tc_body(%arg0: i32, %arg1: memref<1024x80xf32, #tpu.memory_space<vmem>>, %arg2: memref<1024x1xi32, #tpu.memory_space<vmem>>, %arg3: memref<80x128xf32, #tpu.memory_space<vmem>>, %arg4: memref<2x128xf32, #tpu.memory_space<vmem>>, %arg5: memref<1x2xf32, #tpu.memory_space<vmem>>, %arg6: memref<1x2xf32, #tpu.memory_space<vmem>>, %arg7: memref<1x128xf32, #tpu.memory_space<vmem>>, %arg8: memref<1x128xf32, #tpu.memory_space<vmem>>, %arg9: memref<1024x128xf32, #tpu.memory_space<vmem>>) attributes {dimension_semantics = [#tpu.dimension_semantics<arbitrary>], iteration_bounds = array<i64: 200>, scalar_prefetch = 0 : i64, scratch_operands = 0 : i64, tpu.core_type = #tpu.core_type<tc>, window_params = [{transform_indices = @transform_0, window_bounds = array<i64: 1024, 80>}, {transform_indices = @transform_1, window_bounds = array<i64: 1024, 1>}, {pipeline_mode = #tpu.pipeline_mode<synchronous>, transform_indices = @transform_2, window_bounds = array<i64: 80, 128>}, {pipeline_mode = #tpu.pipeline_mode<synchronous>, transform_indices = @transform_3, window_bounds = array<i64: 2, 128>}, {pipeline_mode = #tpu.pipeline_mode<synchronous>, transform_indices = @transform_4, window_bounds = array<i64: 1, 2>}, {pipeline_mode = #tpu.pipeline_mode<synchronous>, transform_indices = @transform_5, window_bounds = array<i64: 1, 2>}, {pipeline_mode = #tpu.pipeline_mode<synchronous>, transform_indices = @transform_6, window_bounds = array<i64: 1, 128>}, {pipeline_mode = #tpu.pipeline_mode<synchronous>, transform_indices = @transform_7, window_bounds = array<i64: 1, 128>}, {transform_indices = @transform_8, window_bounds = array<i64: 1024, 128>}]} {
    %get3A = arith.constant 0 : index
    %get3A_0 = arith.constant 0 : index
    %get3A_1 = vector.load %arg1[%get3A, %get3A_0] : memref<1024x80xf32, #tpu.memory_space<vmem>>, vector<1024x80xf32>
    %get3A_2 = arith.constant 0 : index
    %get3A_3 = arith.constant 0 : index
    %get3A_4 = vector.load %arg2[%get3A_2, %get3A_3] : memref<1024x1xi32, #tpu.memory_space<vmem>>, vector<1024x1xi32>
    %eq3A = arith.constant 1 : i32
    %eq3A_5 = vector.broadcast %eq3A : i32 to vector<1024x1xi32>
    %eq3A_6 = arith.cmpi eq, %get3A_4, %eq3A_5 : vector<1024x1xi32>
    %get3A_7 = arith.constant 0 : index
    %get3A_8 = arith.constant 1 : index
    %get3A_9 = vector.load %arg5[%get3A_7, %get3A_8] : memref<1x2xf32, #tpu.memory_space<vmem>>, vector<1x1xf32>
    %get3A_10 = arith.constant 0 : index
    %get3A_11 = arith.constant 0 : index
    %get3A_12 = vector.load %arg5[%get3A_10, %get3A_11] : memref<1x2xf32, #tpu.memory_space<vmem>>, vector<1x1xf32>
    %broadcast_in_dim3A = vector.shape_cast %get3A_9 : vector<1x1xf32> to vector<1x1xf32>
    %broadcast_in_dim3A_13 = vector.broadcast %broadcast_in_dim3A : vector<1x1xf32> to vector<1024x1xf32>
    %broadcast_in_dim3A_14 = vector.shape_cast %get3A_12 : vector<1x1xf32> to vector<1x1xf32>
    %broadcast_in_dim3A_15 = vector.broadcast %broadcast_in_dim3A_14 : vector<1x1xf32> to vector<1024x1xf32>
    %select_n3A = arith.select %eq3A_6, %broadcast_in_dim3A_13, %broadcast_in_dim3A_15 : vector<1024x1xi1>, vector<1024x1xf32>
    %get3A_16 = arith.constant 0 : index
    %get3A_17 = arith.constant 1 : index
    %get3A_18 = vector.load %arg6[%get3A_16, %get3A_17] : memref<1x2xf32, #tpu.memory_space<vmem>>, vector<1x1xf32>
    %get3A_19 = arith.constant 0 : index
    %get3A_20 = arith.constant 0 : index
    %get3A_21 = vector.load %arg6[%get3A_19, %get3A_20] : memref<1x2xf32, #tpu.memory_space<vmem>>, vector<1x1xf32>
    %broadcast_in_dim3A_22 = vector.shape_cast %get3A_18 : vector<1x1xf32> to vector<1x1xf32>
    %broadcast_in_dim3A_23 = vector.broadcast %broadcast_in_dim3A_22 : vector<1x1xf32> to vector<1024x1xf32>
    %broadcast_in_dim3A_24 = vector.shape_cast %get3A_21 : vector<1x1xf32> to vector<1x1xf32>
    %broadcast_in_dim3A_25 = vector.broadcast %broadcast_in_dim3A_24 : vector<1x1xf32> to vector<1024x1xf32>
    %select_n3A_26 = arith.select %eq3A_6, %broadcast_in_dim3A_23, %broadcast_in_dim3A_25 : vector<1024x1xi1>, vector<1024x1xf32>
    %reduce_sum3A = arith.constant dense<0.000000e+00> : vector<1024xf32>
    %reduce_sum3A_27 = vector.multi_reduction <add>, %get3A_1, %reduce_sum3A [1] : vector<1024x80xf32> to vector<1024xf32>
    %broadcast_in_dim3A_28 = vector.shape_cast %reduce_sum3A_27 : vector<1024xf32> to vector<1024x1xf32>
    %add3A = arith.addf %broadcast_in_dim3A_28, %select_n3A : vector<1024x1xf32>
    %mul3A = arith.mulf %get3A_1, %get3A_1 : vector<1024x80xf32>
    %reduce_sum3A_29 = arith.constant dense<0.000000e+00> : vector<1024xf32>
    %reduce_sum3A_30 = vector.multi_reduction <add>, %mul3A, %reduce_sum3A_29 [1] : vector<1024x80xf32> to vector<1024xf32>
    %broadcast_in_dim3A_31 = vector.shape_cast %reduce_sum3A_30 : vector<1024xf32> to vector<1024x1xf32>
    %add3A_32 = arith.addf %broadcast_in_dim3A_31, %select_n3A_26 : vector<1024x1xf32>
    %mul3A_33 = arith.constant 0.0113636367 : f32
    %mul3A_34 = vector.broadcast %mul3A_33 : f32 to vector<1024x1xf32>
    %mul3A_35 = arith.mulf %add3A, %mul3A_34 : vector<1024x1xf32>
    %mul3A_36 = arith.constant 0.0113636367 : f32
    %mul3A_37 = vector.broadcast %mul3A_36 : f32 to vector<1024x1xf32>
    %mul3A_38 = arith.mulf %add3A_32, %mul3A_37 : vector<1024x1xf32>
    %mul3A_39 = arith.mulf %mul3A_35, %mul3A_35 : vector<1024x1xf32>
    %sub3A = arith.subf %mul3A_38, %mul3A_39 : vector<1024x1xf32>
    %add3A_40 = arith.constant 9.99999974E-6 : f32
    %add3A_41 = vector.broadcast %add3A_40 : f32 to vector<1024x1xf32>
    %add3A_42 = arith.addf %sub3A, %add3A_41 : vector<1024x1xf32>
    %rsqrt3A = math.rsqrt %add3A_42 : vector<1024x1xf32>
    %get3A_43 = arith.constant 1 : index
    %get3A_44 = arith.constant 0 : index
    %get3A_45 = vector.load %arg4[%get3A_43, %get3A_44] : memref<2x128xf32, #tpu.memory_space<vmem>>, vector<1x128xf32>
    %get3A_46 = arith.constant 0 : index
    %get3A_47 = arith.constant 0 : index
    %get3A_48 = vector.load %arg4[%get3A_46, %get3A_47] : memref<2x128xf32, #tpu.memory_space<vmem>>, vector<1x128xf32>
    %broadcast_in_dim3A_49 = vector.shape_cast %eq3A_6 : vector<1024x1xi1> to vector<1024x1xi1>
    %broadcast_in_dim3A_50 = vector.broadcast %broadcast_in_dim3A_49 : vector<1024x1xi1> to vector<1024x128xi1>
    %broadcast_in_dim3A_51 = vector.shape_cast %get3A_45 : vector<1x128xf32> to vector<1x128xf32>
    %broadcast_in_dim3A_52 = vector.broadcast %broadcast_in_dim3A_51 : vector<1x128xf32> to vector<1024x128xf32>
    %broadcast_in_dim3A_53 = vector.shape_cast %get3A_48 : vector<1x128xf32> to vector<1x128xf32>
    %broadcast_in_dim3A_54 = vector.broadcast %broadcast_in_dim3A_53 : vector<1x128xf32> to vector<1024x128xf32>
    %select_n3A_55 = arith.select %broadcast_in_dim3A_50, %broadcast_in_dim3A_52, %broadcast_in_dim3A_54 : vector<1024x128xi1>, vector<1024x128xf32>
    %get3A_56 = arith.constant 0 : index
    %get3A_57 = arith.constant 0 : index
    %get3A_58 = vector.load %arg3[%get3A_56, %get3A_57] : memref<80x128xf32, #tpu.memory_space<vmem>>, vector<80x128xf32>
    %dot_general3A = arith.constant dense<0.000000e+00> : vector<1024x128xf32>
    %dot_general3A_59 = tpu.matmul %get3A_1, %get3A_58, %dot_general3A {dimension_numbers = #tpu.dot_dimension_numbers<[1], [0], [0], [1], [0, 0, 1, 1], [], []>, precision = #tpu.contract_precision<fp32>, transpose_lhs_hint = false} : vector<1024x80xf32>, vector<80x128xf32>, vector<1024x128xf32> -> vector<1024x128xf32>
    %add3A_60 = arith.addf %dot_general3A_59, %select_n3A_55 : vector<1024x128xf32>
    %mul3A_61 = vector.broadcast %rsqrt3A : vector<1024x1xf32> to vector<1024x128xf32>
    %mul3A_62 = arith.mulf %mul3A_61, %add3A_60 : vector<1024x128xf32>
    %mul3A_63 = arith.mulf %rsqrt3A, %mul3A_35 : vector<1024x1xf32>
    %get3A_64 = arith.constant 0 : index
    %get3A_65 = arith.constant 0 : index
    %get3A_66 = vector.load %arg7[%get3A_64, %get3A_65] : memref<1x128xf32, #tpu.memory_space<vmem>>, vector<1x128xf32>
    %mul3A_67 = vector.broadcast %mul3A_63 : vector<1024x1xf32> to vector<1024x128xf32>
    %mul3A_68 = vector.broadcast %get3A_66 : vector<1x128xf32> to vector<1024x128xf32>
    %mul3A_69 = arith.mulf %mul3A_67, %mul3A_68 : vector<1024x128xf32>
    %sub3A_70 = arith.subf %mul3A_62, %mul3A_69 : vector<1024x128xf32>
    %get3A_71 = arith.constant 0 : index
    %get3A_72 = arith.constant 0 : index
    %get3A_73 = vector.load %arg8[%get3A_71, %get3A_72] : memref<1x128xf32, #tpu.memory_space<vmem>>, vector<1x128xf32>
    %add3A_74 = vector.broadcast %get3A_73 : vector<1x128xf32> to vector<1024x128xf32>
    %add3A_75 = arith.addf %sub3A_70, %add3A_74 : vector<1024x128xf32>
    %swap3A = arith.constant 0 : index
    %swap3A_76 = arith.constant 0 : index
    %swap3A_77 = vector.load %arg9[%swap3A, %swap3A_76] : memref<1024x128xf32, #tpu.memory_space<vmem>>, vector<1024x128xf32>
    tpu.vector_store %arg9[%swap3A, %swap3A_76], %add3A_75 {strides = array<i32>} : memref<1024x128xf32, #tpu.memory_space<vmem>>, vector<1024x128xf32>,
    return
  }
  func.func @transform_0(%arg0: i32) -> (i32, i32) {
    %c0_i32 = arith.constant 0 : i32
    %c0_i32_0 = arith.constant 0 : i32
    return %arg0, %c0_i32 : i32, i32
  }
  func.func @transform_1(%arg0: i32) -> (i32, i32) {
    %c0_i32 = arith.constant 0 : i32
    %c0_i32_0 = arith.constant 0 : i32
    return %arg0, %c0_i32 : i32, i32
  }
  func.func @transform_2(%arg0: i32) -> (i32, i32) {
    %c0_i32 = arith.constant 0 : i32
    %c0_i32_0 = arith.constant 0 : i32
    %c0_i32_1 = arith.constant 0 : i32
    return %c0_i32, %c0_i32_0 : i32, i32
  }
  func.func @transform_3(%arg0: i32) -> (i32, i32) {
    %c0_i32 = arith.constant 0 : i32
    %c0_i32_0 = arith.constant 0 : i32
    %c0_i32_1 = arith.constant 0 : i32
    return %c0_i32, %c0_i32_0 : i32, i32
  }
  func.func @transform_4(%arg0: i32) -> (i32, i32) {
    %c0_i32 = arith.constant 0 : i32
    %c0_i32_0 = arith.constant 0 : i32
    %c0_i32_1 = arith.constant 0 : i32
    return %c0_i32, %c0_i32_0 : i32, i32
  }
  func.func @transform_5(%arg0: i32) -> (i32, i32) {
    %c0_i32 = arith.constant 0 : i32
    %c0_i32_0 = arith.constant 0 : i32
    %c0_i32_1 = arith.constant 0 : i32
    return %c0_i32, %c0_i32_0 : i32, i32
  }
  func.func @transform_6(%arg0: i32) -> (i32, i32) {
    %c0_i32 = arith.constant 0 : i32
    %c0_i32_0 = arith.constant 0 : i32
    %c0_i32_1 = arith.constant 0 : i32
    return %c0_i32, %c0_i32_0 : i32, i32
  }
  func.func @transform_7(%arg0: i32) -> (i32, i32) {
    %c0_i32 = arith.constant 0 : i32
    %c0_i32_0 = arith.constant 0 : i32
    %c0_i32_1 = arith.constant 0 : i32
    return %c0_i32, %c0_i32_0 : i32, i32
  }
  func.func @transform_8(%arg0: i32) -> (i32, i32) {
    %c0_i32 = arith.constant 0 : i32
    %c0_i32_0 = arith.constant 0 : i32
    return %arg0, %c0_i32 : i32, i32
  }
}

</mosaic_0001>

<sc_bundles>
// kernel: kernel.4.cloned.1.call-start
scs
__scs_entry_jumppad:
0x0: {  	(pc) =	sbr.rel $0x88, $3  }
0x1: {  	(tag) =	ssettag $0x0;
	lr =	simm.s32 $0x1  }
0x2: {  	[smem:$0x3F8F] =	sst lr;
	_ =	strace $0xD0000000  }
0x3: {  	_ = 	snop  }
0x4: {  	_ = 	snop  }
0x5: {  	_ = 	snop  }
0x6: {  	_ = 	snop  }
0x7: {  	_ = 	snop  }
__scs_overlays_trampoline_lowered:
0x8: {  	[smem:$0x3F9E] =	sst s0  }
0x9: {  	[smem:$0x3F9F] =	sst s1  }
0xa: {  	[smem:$0x3FA0] =	sst s2  }
0xb: {  	[smem:$0x3FA1] =	sst s3  }
0xc: {  	[smem:$0x3FA2] =	sst s4  }
0xd: {  	[smem:$0x3FA3] =	sst s5  }
0xe: {  	[smem:$0x3FA4] =	sst s6  }
0xf: {  	[smem:$0x3FA5] =	sst s7  }
0x10: {  	[smem:$0x3FA6] =	sst s8  }
0x11: {  	[smem:$0x3FA7] =	sst s9;
	s0 =	simm.s32 @!p0 $0x0  }
0x12: {  	s1 =	sld [smem:$0x3F8D];
	s0 =	simm.s32 @p0 $0x1  }
0x13: {  	[smem:$0x3FA8] =	sst s0;
	s0 =	simm.s32 @!p1 $0x0  }
0x14: {  	s2 =	sld [smem:$0x3F8C];
	s0 =	simm.s32 @p1 $0x1  }
0x15: {  	[smem:$0x3FA9] =	sst s0;
	s0 =	simm.s32 @!p2 $0x0  }
0x16: {  	s3 =	sld [smem:$0x3FDB];
	s0 =	simm.s32 @p2 $0x1  }
0x17: {  	s4 =	simm.s32 $0x1BF5;
	[smem:$0x3FAB] =	sst s0  }
0x18: {  	s0 =	sld [smem:$0x3F8E];
	_ =	swait.ge [sflag:s4], $0x0  }
0x19: {  	s7 =	sld [smem:$0x3F8F]  }
0x1a: {  	s8 =	sadd.s32 $0xFFFFE003, lr  }
0x1b: {  	s9 =	sadd.s32 $0xFFFFFEF7, lr;
	s5 =	simm.s32 $0xFFFFFFFF;
	p2 =	slt.u32 s8, $0xFFFFF086  }
0x1c: {  	p1 =	slt.u32 s9, $0xF7A;
	s5 =	simm.s32 @!p2 $0x0  }
0x1d: {  	s5 =	simm.s32 @p1 $0x1;
	p0 =	seq.s32 s7, s2  }
0x1e: {  	s7 =	smul.u32 @!p0 $0xF7A, s2;
	p2 =	seq.s32 @!p0 s5, $0x0  }
0x1f: {  	s9 =	smul.u32 $0xF7A, s1;
	s8 =	simm.s32 @!p0 $0x1BF5;
	p2 =	por !p2, p0  }
0x20: {  	[sflag:s8] =	ssyncset.s32 @!p0 $0xFFFFF086;
	s6 =	sadd.s32 @!p0 s3, s7;
	s7 =	simm.s32 @!p0 $0x108  }
0x21: {  	s3 =	sadd.s32 s3, s9;
	s6 =	sadd.s32 @!p0 $0x88, s6;
	s7 =	simm.s32 @p2 $0x1082  }
0x22: {  	[simem:s7], [sflag:s8] =	dma.local @!p0 [hbm:s6], $0xF7A  }
0x23: {  	s9 =	sor.u32 $0xD0000000, s2;
	s6 =	simm.s32 $0x108;
	_ =	swait.ge @!p0 [sflag:s8], $0x0  }
0x24: {  	s3 =	sadd.s32 $0x88, s3;
	s6 =	simm.s32 @!p1 $0x1082;
	[sflag:s4] =	ssyncset.s32 $0xFFFFF086  }
0x25: {  	[simem:s6], [sflag:s4] =	dma.local [hbm:s3], $0xF7A  }
0x26: {  	[smem:$0x3F8F] =	sst s1;
	(tag) =	ssettag s2;
	_ =	strace s9  }
0x27: {  	s1 =	sld [smem:$0x3F9F]  }
0x28: {  	s2 =	sld [smem:$0x3FA0]  }
0x29: {  	s4 =	sld [smem:$0x3FA2]  }
0x2a: {  	p0 =	seq.s32 s5, $0x0;
	s5 =	sld [smem:$0x3FA3]  }
0x2b: {  	s6 =	sld [smem:$0x3FA4]  }
0x2c: {  	s7 =	sld [smem:$0x3FA5]  }
0x2d: {  	s3 =	simm.s32 $0x108;
	s8 =	sld [smem:$0x3FA6]  }
0x2e: {  	s3 =	simm.s32 @!p0 $0x1082;
	s9 =	sld [smem:$0x3FA7]  }
0x2f: {  	lr =	sadd.s32 s0, s3;
	s0 =	sld [smem:$0x3F9E]  }
0x30: {  	s3 =	sld [smem:$0x3FA1]  }
0x31: {  	[smem:$0x3FAA] =	sst s10  }
0x32: {  	s10 =	sld [smem:$0x3FA8];
	_ =	sdelay $0x3  }
0x33: {  	p0 =	seq.s32 s10, $0x1;
	s10 =	sld [smem:$0x3FAA];
	_ =	sdelay $0x3  }
0x34: {  	[smem:$0x3FAA] =	sst s10  }
0x35: {  	s10 =	sld [smem:$0x3FA9];
	_ =	sdelay $0x3  }
0x36: {  	p1 =	seq.s32 s10, $0x1;
	s10 =	sld [smem:$0x3FAA];
	_ =	sdelay $0x3  }
0x37: {  	[smem:$0x3FAA] =	sst s10  }
0x38: {  	s10 =	sld [smem:$0x3FAB]  }
0x39: {  	_ = 	snop;
	(pc) =	sbr.ind lr, $3  }
0x3a: {  	_ = 	snop  }
0x3b: {  	_ = 	snop  }
0x3c: {  	p2 =	seq.s32 s10, $0x1;
	s10 =	sld [smem:$0x3FAA]  }
0x3d: {  	_ =	shalt  }
0x3e: {  	_ =	shalt  }
0x3f: {  	_ =	shalt  }
0x40: {  	_ =	shalt  }
0x41: {  	_ =	shalt  }
0x42: {  	_ =	shalt  }
0x43: {  	_ =	shalt  }
0x44: {  	_ =	shalt  }
0x45: {  	_ =	shalt  }
0x46: {  	_ =	shalt  }
0x47: {  	_ =	shalt  }
0x48: {  	_ =	shalt  }
0x49: {  	_ =	shalt  }
0x4a: {  	_ =	shalt  }
0x4b: {  	_ =	shalt  }
0x4c: {  	_ =	shalt  }
0x4d: {  	_ =	shalt  }
0x4e: {  	_ =	shalt  }
0x4f: {  	_ =	shalt  }
0x50: {  	_ =	shalt  }
0x51: {  	_ =	shalt  }
0x52: {  	_ =	shalt  }
0x53: {  	_ =	shalt  }
0x54: {  	_ =	shalt  }
0x55: {  	_ =	shalt  }
0x56: {  	_ =	shalt  }
0x57: {  	_ =	shalt  }
0x58: {  	_ =	shalt  }
0x59: {  	_ =	shalt  }
0x5a: {  	_ =	shalt  }
0x5b: {  	_ =	shalt  }
0x5c: {  	_ =	shalt  }
0x5d: {  	_ =	shalt  }
0x5e: {  	_ =	shalt  }
0x5f: {  	_ =	shalt  }
0x60: {  	_ =	shalt  }
0x61: {  	_ =	shalt  }
0x62: {  	_ =	shalt  }
0x63: {  	_ =	shalt  }
0x64: {  	_ =	shalt  }
0x65: {  	_ =	shalt  }
0x66: {  	_ =	shalt  }
0x67: {  	_ =	shalt  }
0x68: {  	_ =	shalt  }
0x69: {  	_ =	shalt  }
0x6a: {  	_ =	shalt  }
0x6b: {  	_ =	shalt  }
0x6c: {  	_ =	shalt  }
0x6d: {  	_ =	shalt  }
0x6e: {  	_ =	shalt  }
0x6f: {  	_ =	shalt  }
0x70: {  	_ =	shalt  }
0x71: {  	_ =	shalt  }
0x72: {  	_ =	shalt  }
0x73: {  	_ =	shalt  }
0x74: {  	_ =	shalt  }
0x75: {  	_ =	shalt  }
0x76: {  	_ =	shalt  }
0x77: {  	_ =	shalt  }
0x78: {  	_ =	shalt  }
0x79: {  	_ =	shalt  }
0x7a: {  	_ =	shalt  }
0x7b: {  	_ =	shalt  }
0x7c: {  	_ =	shalt  }
0x7d: {  	_ =	shalt  }
0x7e: {  	_ =	shalt  }
0x7f: {  	_ =	shalt  }
0x80: {  	_ =	shalt  }
0x81: {  	_ =	shalt  }
0x82: {  	_ =	shalt  }
0x83: {  	_ =	shalt  }
0x84: {  	_ =	shalt  }
0x85: {  	_ =	shalt  }
0x86: {  	_ =	shalt  }
0x87: {  	_ =	shalt  }
.Lfunc_end0:
.L_simem_size_0:
called_computation_lowered:
.L_overlay_start_0:
0x88: {  	s2 =	sld [smem:$0x3FD9]  }
0x89: {  	s3 =	sld [smem:$0x3FFE];
	_ =	sdelay $0x1  }
0x8a: {  	s1 =	srdreg.scid  }
0x8b: {  	s0 =	sand.u32 $0x1, s1  }
0x8c: {  	s17 =	sshll.u32 s0, $0xA;
	s2 =	sadd.s32 s3, s2  }
0x8d: {  	s2 =	sadd.s32 s2, s17  }
0x8e: {  	[smem:$0x3FB6] =	sst s2  }
0x8f: {  	_ = 	snop  }
0x90: {  	s2 =	sld [smem:$0x3FD0];
	(tm) =	ssettm $0x1  }
0x91: {  	s18 =	sld [smem:$0x3FFB];
	_ =	sdelay $0x3  }
0x92: {  	_ =	strace s18  }
0x93: {  	s3 =	sld [smem:$0x3FFC];
	_ =	sdelay $0x3  }
0x94: {  	_ =	strace s3  }
0x95: {  	s3 =	sld [smem:$0x3FFD];
	_ =	sdelay $0x3  }
0x96: {  	_ =	strace s3  }
0x97: {  	_ =	strace $0x8FFFFFFF  }
0x98: {  	s19 =	sld [smem:$0x3FDB];
	_ =	sdelay $0x1  }
0x99: {  	s4 =	simm.s32 $_scs_section_size  }
0x9a: {  	s5 =	simm.s32 $_size__tile_overlayer_lowered;
	s6 =	simm.s32 $_tile_overlayer_lowered  }
0x9b: {  	s22 =	simm.s32 $0x1BFF;
	s21 =	sshll.u32 s6, $0x1;
	s3 =	sadd.s32 s4, s19  }
0x9c: {  	s7 =	simm.s32 $0x0;
	s20 =	sshll.u32 s5, $0x1;
	s5 =	sadd.s32 s21, s3  }
0x9d: {  	[timem:s7], [sflag:s22] =	dma.local [hbm:s5], s20  }
0x9e: {  	_ =	swait.ge [sflag:s22], s20  }
0x9f: {  	s4 =	ssub.s32 $0x0, s20;
	[sflag:s22] =	ssyncset.done $0x0  }
0xa0: {  	[sflag:s22] =	ssyncadd.s32 s4;
	_ =	sdelay $0x1  }
0xa1: {  	s23 =	simm.s32 $0x1B8B  }
0xa2: {  	_ =	swait.ge [sflag:s23], $0x1  }
0xa3: {  	[sflag:s23] =	ssyncset.done $0x0  }
0xa4: {  	s25 =	simm.s32 $0x1B8E;
	s24 =	sld [smem:$0x3FFE];
	[sflag:s23] =	ssyncadd.s32 $0xFFFFFFFF  }
0xa5: {  	s26 =	simm.s32 $execute0_lowered;
	[smem:$0x3FD2] =	sst s25  }
0xa6: {  	s5 =	sshll.u32 s26, $0x1;
	_ =	strace $0x80000046;
	[dreg:$0x1] =	wrdreg $0xFFFFFFFF  }
0xa7: {  	s28 =	simm.s32 $_size_execute0_lowered;
	s3 =	sadd.s32 s3, s5;
	[dreg:$0x0] =	wrdreg $0x0  }
0xa8: {  	s5 =	sshll.u32 s28, $0x1;
	[dreg:$0x2] =	wrdreg s3  }
0xa9: {  	[dreg:$0x3] =	wrdreg s5  }
0xaa: {  	[dreg:$0x4] =	wrdreg $0xC0  }
0xab: {  	_ =	task [dreg:s7], $0x5FFFF  }
0xac: {  	[dreg:$0x1] =	wrdreg $0xFFFFFFFF  }
0xad: {  	[dreg:$0x0] =	wrdreg $0x60  }
0xae: {  	[dreg:$0x2] =	wrdreg s24  }
0xaf: {  	[dreg:$0x3] =	wrdreg s2  }
0xb0: {  	[dreg:$0x4] =	wrdreg $0x9  }
0xb1: {  	_ =	task.clear_ibuf [dreg:s7], $0x5FFFF;
	_ =	strace $0x90000046  }
0xb2: {  	s29 =	simm.s32 $0x9;
	_ =	strace $0x80000048  }
0xb3: {  	_ =	swait.ge [sflag:s29], $0x1  }
0xb4: {  	[sflag:s29] =	ssyncadd.s32 $0xFFFFFFFF  }
0xb5: {  	_ =	strace $0x90000048  }
0xb6: {  	_ =	sfence  }
0xb7: {  	s30 =	sld [smem:$0x0];
	_ =	sdelay $0x2  }
0xb8: {  	s31 =	sshll.u32 s1, $0xD;
	s1 =	sshrl.u32 s1, $0x2  }
0xb9: {  	s3 =	sand.u32 $0x4000, s31;
	s1 =	sadd.s32 s1, s30  }
0xba: {  	s0 =	sor.u32 s3, s0;
	s1 =	sshll.u32 s1, $0x11  }
0xbb: {  	s0 =	sor.u32 s1, s0  }
0xbc: {  	s0 =	sadd.s32 $0x8F2B, s0  }
0xbd: {  	[sflag:s0] =	ssyncadd.remote.s32 $0x1  }
0xbe: {  	_ =	sfence.sel $0xFFFF  }
0xbf: {  	[dreg:$0x0] =	wrdreg $0xFFFFFFFF;
	(pc) =	sbr.abs _section_cstart, $3  }
0xc0: {  	[dreg:$0x1] =	wrdreg $0xFFFFFFFF  }
0xc1: {  	_ =	task.clear_ibuf [dreg:s7], $0x2FFFF;
	_ =	strace $0x9FFFFFFF  }
0xc2: {  	(tm) =	ssettm $0x7FFFFFFF  }
0xc3: {  	_ =	shalt  }
tec
execute0_lowered:
.L_overlay_start_1:
0x0: {  	(tag) =	ssettag $0x1  }
0x1: {  	s5 =	rddreg [dreg:$0x0];
	s2 =	srdreg.scid  }
0x2: {  	s8 =	rddreg [dreg:$0x1];
	s7 =	sand.u32 $0x1, s2;
	s2 =	simm.s32 $0x0  }
0x3: {  	s15 =	simm.s32 $0x1800;
	[smem:$0x7FF] =	sst s2  }
0x4: {  	s16 =	simm.s32 $0x280;
	_ =	strace $0x80000047;
	[dreg:$0x8] =	wrdreg s15  }
0x5: {  	s17 =	simm.s32 $0x5000;
	[dreg:$0x9] =	wrdreg s16  }
0x6: {  	s18 =	simm.s32 $0x480;
	[dreg:$0xa] =	wrdreg s17  }
0x7: {  	s19 =	simm.s32 $0x7000;
	[dreg:$0xb] =	wrdreg s18  }
0x8: {  	s1 =	stileid.u32;
	s20 =	simm.s32 $0x680;
	[dreg:$0xc] =	wrdreg s19  }
0x9: {  	s21 =	simm.s32 $0x9000;
	s22 =	simm.s32 $0x100;
	[dreg:$0xd] =	wrdreg s20  }
0xa: {  	s23 =	simm.s32 $0x2800;
	s25 =	simm.s32 $0x300;
	[dreg:$0xe] =	wrdreg s21  }
0xb: {  	s26 =	simm.s32 $0x5800;
	s28 =	simm.s32 $0x500;
	[dreg:$0xf] =	wrdreg s22  }
0xc: {  	s29 =	simm.s32 $0x7800;
	s30 =	simm.s32 $0x700;
	[dreg:$0x10] =	wrdreg s23  }
0xd: {  	s31 =	simm.s32 $0x9800;
	s3 =	sshll.u32 s1, $0xA;
	[dreg:$0x11] =	wrdreg s25  }
0xe: {  	p0 =	slt.u32 s1, $0x8;
	s11 =	smul.u32 $0x14000, s1;
	[dreg:$0x12] =	wrdreg s26  }
0xf: {  	s4 =	sshll.u32 s7, $0x9;
	s9 =	ssub.s32 $0x2, s7;
	[dreg:$0x13] =	wrdreg s28  }
0x10: {  	s12 =	smul.u32 $0xA000, s7;
	s3 =	sor.u32 s4, s3;
	[dreg:$0x14] =	wrdreg s29  }
0x11: {  	s4 =	simm.s32 $0x6800;
	s10 =	sshrl.u32 s9, $0x1;
	[dreg:$0x15] =	wrdreg s30  }
0x12: {  	[dreg:$0x16] =	wrdreg s31;
	s15 =	simm.s32 $0x380;
	s17 =	simm.s32 $0x6000  }
0x13: {  	s16 =	simm.s32 $0x8800;
	s18 =	simm.s32 $0x8000;
	s19 =	simm.s32 $0x780  }
0x14: {  	s20 =	simm.s32 $0xA000;
	s21 =	simm.s32 $0x1;
	s22 =	simm.s32 $0x20  }
0x15: {  	s23 =	simm.s32 $0x50;
	s25 =	simm.s32 $0x0;
	s3 =	sshrl.u32 s3, $0x3  }
0x16: {  	s4 =	simm.s32 @!p0 $0x6000;
	s9 =	ssub.s32 s9, s10;
	s24 =	sadd.s32 s12, s11  }
0x17: {  	s11 =	simm.s32 $0x400;
	s12 =	simm.s32 $0x600;
	[dreg:$0x19] =	wrdreg s15  }
0x18: {  	s15 =	simm.s32 $0x4800;
	[dreg:$0x1a] =	wrdreg s17;
	s17 =	simm.s32 $0x580  }
0x19: {  	s6 =	sadd.s32 s3, s5;
	[dreg:$0x3] =	wrdreg s4;
	s4 =	sadd.s32 $0x1E00, s5  }
0x1a: {  	s7 =	smax.u32 s9, $0x1;
	s10 =	sshrl.u32 s24, $0x3;
	s3 =	sadd.s32 $0x16200, s6  }
0x1b: {  	s9 =	simm.s32 $0x2;
	s13 =	sadd.s32 $0xFE00, s6;
	[dreg:$0x4] =	wrdreg s3  }
0x1c: {  	s24 =	simm.s32 $0x10;
	s14 =	sadd.s32 $0x9A00, s6;
	[dreg:$0x5] =	wrdreg s13  }
0x1d: {  	s6 =	sadd.s32 $0x3600, s6;
	s8 =	sadd.s32 s10, s8;
	[dreg:$0x6] =	wrdreg s14  }
0x1e: {  	s10 =	simm.s32 $0x200;
	s3 =	sadd.s32 $0xE00, s5;
	[dreg:$0x7] =	wrdreg s6  }
0x1f: {  	s5 =	sadd.s32 $0x2A00, s5;
	s6 =	simm.s32 $0x6800;
	s13 =	simm.s32 $0x180  }
0x20: {  	s8 =	sadd.s32 $0x8, s8;
	s14 =	simm.s32 $0x3800;
	[dreg:$0x17] =	wrdreg s13  }
0x21: {  	s13 =	simm.s32 $0x80;
	[dreg:$0x18] =	wrdreg s14;
	s14 =	simm.s32 $0x800  }
.LBB2_1:
0x22: {  	s26 =	smov.u32 s8;
	s28 =	simm.s32 $0x0  }
.LBB2_2:
0x23: {  	s29 =	rddreg [dreg:$0x7]  }
0x24: {  	s29 =	sadd.s32 s28, s29  }
0x25: {  	[tilespmem:s2], [sflag:$0x2] =	stream.linear.gather [hbm4b:s29+s2], $0x200, $0x38;
	[tilespmem:$0xA800] =	vst v63  }
0x26: {  	_ =	swait.ge [sflag:s9], $0x200  }
0x27: {  	s0 =	rddreg [dreg:$0x6];
	[sflag:s9] =	ssyncset.done $0x0  }
0x28: {  	[sflag:s9] =	ssyncadd.s32 $0xFFFFFE00;
	s29 =	sadd.s32 s28, s0  }
0x29: {  	[tilespmem:s10], [sflag:$0x2] =	stream.linear.gather [hbm4b:s29+s2], $0x200, $0x38;
	[tilespmem:$0xA800] =	vst v63  }
0x2a: {  	_ =	swait.ge [sflag:s9], $0x200  }
0x2b: {  	s30 =	rddreg [dreg:$0x5];
	[sflag:s9] =	ssyncset.done $0x0  }
0x2c: {  	[sflag:s9] =	ssyncadd.s32 $0xFFFFFE00;
	s29 =	sadd.s32 s28, s30  }
0x2d: {  	[tilespmem:s11], [sflag:$0x2] =	stream.linear.gather [hbm4b:s29+s2], $0x200, $0x38;
	[tilespmem:$0xA800] =	vst v63  }
0x2e: {  	_ =	swait.ge [sflag:s9], $0x200  }
0x2f: {  	s31 =	rddreg [dreg:$0x4];
	[sflag:s9] =	ssyncset.done $0x0  }
0x30: {  	[sflag:s9] =	ssyncadd.s32 $0xFFFFFE00;
	s29 =	sadd.s32 s28, s31  }
0x31: {  	[tilespmem:s12], [sflag:$0x2] =	stream.linear.gather [hbm4b:s29+s2], $0x200, $0x38;
	[tilespmem:$0xA800] =	vst v63  }
0x32: {  	_ =	swait.ge [sflag:s9], $0x200  }
0x33: {  	[sflag:s9] =	ssyncset.done $0x0  }
0x34: {  	[sflag:s9] =	ssyncadd.s32 $0xFFFFFE00  }
0x35: {  	[tilespmem:s14], [sflag:$0x1] =	stream.indirect.gather [hbm4b:s3+s13], $0x20, s2, s13, $0xb8;
	[tilespmem:$0xA800] =	vst v63  }
0x36: {  	s0 =	rddreg [dreg:$0x8]  }
0x37: {  	[tilespmem:s15], [sflag:$0x1] =	stream.indirect.gather [hbm4b:s4+s13], $0x10, s10, s13, $0xb8;
	[tilespmem:$0xA800] =	vst v63  }
0x38: {  	s30 =	rddreg [dreg:$0x9]  }
0x39: {  	[tilespmem:s6], [sflag:$0x1] =	stream.indirect.gather [hbm4b:s4+s13], $0x10, s11, s13, $0xb8;
	[tilespmem:$0xA800] =	vst v63  }
0x3a: {  	s31 =	rddreg [dreg:$0xa]  }
0x3b: {  	[tilespmem:s16], [sflag:$0x1] =	stream.indirect.gather [hbm4b:s5+s13], $0x10, s12, s13, $0xb8;
	[tilespmem:$0xA800] =	vst v63  }
0x3c: {  	s29 =	rddreg [dreg:$0xb]  }
0x3d: {  	[tilespmem:s0], [sflag:$0x1] =	stream.indirect.gather [hbm4b:s3+s13], $0x20, s13, s13, $0xb8;
	[tilespmem:$0xA800] =	vst v63  }
0x3e: {  	s0 =	rddreg [dreg:$0xe]  }
0x3f: {  	[tilespmem:s31], [sflag:$0x1] =	stream.indirect.gather [hbm4b:s4+s13], $0x10, s30, s13, $0xb8;
	[tilespmem:$0xA800] =	vst v63  }
0x40: {  	s30 =	rddreg [dreg:$0xc]  }
0x41: {  	s31 =	rddreg [dreg:$0xd]  }
0x42: {  	[tilespmem:s30], [sflag:$0x1] =	stream.indirect.gather [hbm4b:s4+s13], $0x10, s29, s13, $0xb8;
	[tilespmem:$0xA800] =	vst v63  }
0x43: {  	s29 =	rddreg [dreg:$0x10]  }
0x44: {  	s30 =	rddreg [dreg:$0x11]  }
0x45: {  	[tilespmem:s0], [sflag:$0x1] =	stream.indirect.gather [hbm4b:s5+s13], $0x10, s31, s13, $0xb8;
	[tilespmem:$0xA800] =	vst v63  }
0x46: {  	s0 =	rddreg [dreg:$0xf]  }
0x47: {  	s31 =	rddreg [dreg:$0x12]  }
0x48: {  	[tilespmem:s29], [sflag:$0x1] =	stream.indirect.gather [hbm4b:s3+s13], $0x20, s0, s13, $0xb8;
	[tilespmem:$0xA800] =	vst v63  }
0x49: {  	s0 =	rddreg [dreg:$0x13]  }
0x4a: {  	s29 =	rddreg [dreg:$0x14]  }
0x4b: {  	[tilespmem:s31], [sflag:$0x1] =	stream.indirect.gather [hbm4b:s4+s13], $0x10, s30, s13, $0xb8;
	[tilespmem:$0xA800] =	vst v63  }
0x4c: {  	s30 =	rddreg [dreg:$0x15]  }
0x4d: {  	s31 =	rddreg [dreg:$0x16]  }
0x4e: {  	[tilespmem:s29], [sflag:$0x1] =	stream.indirect.gather [hbm4b:s4+s13], $0x10, s0, s13, $0xb8;
	[tilespmem:$0xA800] =	vst v63  }
0x4f: {  	s0 =	rddreg [dreg:$0x17]  }
0x50: {  	s29 =	rddreg [dreg:$0x18]  }
0x51: {  	[tilespmem:s31], [sflag:$0x1] =	stream.indirect.gather [hbm4b:s5+s13], $0x10, s30, s13, $0xb8;
	[tilespmem:$0xA800] =	vst v63  }
0x52: {  	s30 =	rddreg [dreg:$0x19]  }
0x53: {  	[tilespmem:s29], [sflag:$0x1] =	stream.indirect.gather [hbm4b:s3+s13], $0x20, s0, s13, $0xb8;
	[tilespmem:$0xA800] =	vst v63  }
0x54: {  	s31 =	rddreg [dreg:$0x1a]  }
0x55: {  	[tilespmem:s31], [sflag:$0x1] =	stream.indirect.gather [hbm4b:s4+s13], $0x10, s30, s13, $0xb8;
	[tilespmem:$0xA800] =	vst v63  }
0x56: {  	_ = 	snop  }
0x57: {  	[tilespmem:s18], [sflag:$0x1] =	stream.indirect.gather [hbm4b:s4+s13], $0x10, s17, s13, $0xb8;
	[tilespmem:$0xA800] =	vst v63  }
0x58: {  	_ = 	snop  }
0x59: {  	[tilespmem:s20], [sflag:$0x1] =	stream.indirect.gather [hbm4b:s5+s13], $0x10, s19, s13, $0xb8;
	[tilespmem:$0xA800] =	vst v63  }
0x5a: {  	_ =	swait.ge [sflag:s21], $0x1000  }
0x5b: {  	[sflag:s21] =	ssyncset.done $0x0  }
0x5c: {  	[sflag:s21] =	ssyncadd.s32 $0xFFFFF000  }
0x5d: {  	_ =	swait.ge [sflag:s21], $0x800  }
0x5e: {  	[sflag:s21] =	ssyncset.done $0x0  }
0x5f: {  	[sflag:s21] =	ssyncadd.s32 $0xFFFFF800  }
0x60: {  	_ =	swait.ge [sflag:s21], $0x800  }
0x61: {  	[sflag:s21] =	ssyncset.done $0x0  }
0x62: {  	[sflag:s21] =	ssyncadd.s32 $0xFFFFF800  }
0x63: {  	_ =	swait.ge [sflag:s21], $0x800  }
0x64: {  	[sflag:s21] =	ssyncset.done $0x0  }
0x65: {  	[sflag:s21] =	ssyncadd.s32 $0xFFFFF800  }
0x66: {  	_ =	swait.ge [sflag:s21], $0x1000  }
0x67: {  	[sflag:s21] =	ssyncset.done $0x0  }
0x68: {  	[sflag:s21] =	ssyncadd.s32 $0xFFFFF000  }
0x69: {  	_ =	swait.ge [sflag:s21], $0x800  }
0x6a: {  	[sflag:s21] =	ssyncset.done $0x0  }
0x6b: {  	[sflag:s21] =	ssyncadd.s32 $0xFFFFF800  }
0x6c: {  	_ =	swait.ge [sflag:s21], $0x800  }
0x6d: {  	[sflag:s21] =	ssyncset.done $0x0  }
0x6e: {  	[sflag:s21] =	ssyncadd.s32 $0xFFFFF800  }
0x6f: {  	_ =	swait.ge [sflag:s21], $0x800  }
0x70: {  	[sflag:s21] =	ssyncset.done $0x0  }
0x71: {  	[sflag:s21] =	ssyncadd.s32 $0xFFFFF800  }
0x72: {  	_ =	swait.ge [sflag:s21], $0x1000  }
0x73: {  	[sflag:s21] =	ssyncset.done $0x0  }
0x74: {  	[sflag:s21] =	ssyncadd.s32 $0xFFFFF000  }
0x75: {  	_ =	swait.ge [sflag:s21], $0x800  }
0x76: {  	[sflag:s21] =	ssyncset.done $0x0  }
0x77: {  	[sflag:s21] =	ssyncadd.s32 $0xFFFFF800  }
0x78: {  	_ =	swait.ge [sflag:s21], $0x800  }
0x79: {  	[sflag:s21] =	ssyncset.done $0x0  }
0x7a: {  	[sflag:s21] =	ssyncadd.s32 $0xFFFFF800  }
0x7b: {  	_ =	swait.ge [sflag:s21], $0x800  }
0x7c: {  	[sflag:s21] =	ssyncset.done $0x0  }
0x7d: {  	[sflag:s21] =	ssyncadd.s32 $0xFFFFF800  }
0x7e: {  	_ =	swait.ge [sflag:s21], $0x1000  }
0x7f: {  	[sflag:s21] =	ssyncset.done $0x0  }
0x80: {  	[sflag:s21] =	ssyncadd.s32 $0xFFFFF000  }
0x81: {  	_ =	swait.ge [sflag:s21], $0x800  }
0x82: {  	[sflag:s21] =	ssyncset.done $0x0  }
0x83: {  	[sflag:s21] =	ssyncadd.s32 $0xFFFFF800  }
0x84: {  	_ =	swait.ge [sflag:s21], $0x800  }
0x85: {  	[sflag:s21] =	ssyncset.done $0x0  }
0x86: {  	[sflag:s21] =	ssyncadd.s32 $0xFFFFF800  }
0x87: {  	_ =	swait.ge [sflag:s21], $0x800  }
0x88: {  	[sflag:s21] =	ssyncset.done $0x0  }
0x89: {  	s31 =	sadd.s32 $0xFFFFFFF8, s26;
	[sflag:s21] =	ssyncadd.s32 $0xFFFFF800  }
0x8a: {  	[hbm4b:s31+s22] =	stream.strided.scatter [tilespmem:s14], [sflag:$0x2], $0x4000, s23, s22, $0x38;
	[tilespmem:$0xA800] =	vst v63  }
0x8b: {  	_ =	swait.ge [sflag:s9], $0x4000  }
0x8c: {  	[sflag:s9] =	ssyncset.done $0x0  }
0x8d: {  	s29 =	sadd.s32 $0xFFFFFFFC, s26;
	[sflag:s9] =	ssyncadd.s32 $0xFFFFC000  }
0x8e: {  	[hbm4b:s29+s24] =	stream.strided.scatter [tilespmem:s15], [sflag:$0x2], $0x2000, s23, s24, $0x38;
	[tilespmem:$0xA800] =	vst v63  }
0x8f: {  	_ =	swait.ge [sflag:s9], $0x2000  }
0x90: {  	[sflag:s9] =	ssyncset.done $0x0  }
0x91: {  	s30 =	sadd.s32 $0xFFFFFFFE, s26;
	[sflag:s9] =	ssyncadd.s32 $0xFFFFE000  }
0x92: {  	[hbm4b:s30+s24] =	stream.strided.scatter [tilespmem:s6], [sflag:$0x2], $0x2000, s23, s24, $0x38;
	[tilespmem:$0xA800] =	vst v63  }
0x93: {  	_ =	swait.ge [sflag:s9], $0x2000  }
0x94: {  	[sflag:s9] =	ssyncset.done $0x0  }
0x95: {  	[sflag:s9] =	ssyncadd.s32 $0xFFFFE000  }
0x96: {  	[hbm4b:s26+s24] =	stream.strided.scatter [tilespmem:s16], [sflag:$0x2], $0x2000, s23, s24, $0x38;
	[tilespmem:$0xA800] =	vst v63  }
0x97: {  	_ =	swait.ge [sflag:s9], $0x2000  }
0x98: {  	s28 =	sadd.s32 $0x800, s28;
	s31 =	rddreg [dreg:$0x3]  }
0x99: {  	p0 =	sne.s32 s31, s28  }
.Ltmp0:
0x9a: {  	_ = 	snop;
	(pc) =	sbr.rel @p0 .LBB2_2-.Ltmp0, $3  }
0x9b: {  	_ =	sdelay $0x1  }
0x9c: {  	[sflag:s9] =	ssyncset.done $0x0  }
0x9d: {  	s26 =	sadd.s32 $0x28000, s26;
	[sflag:s9] =	ssyncadd.s32 $0xFFFFE000  }
0x9e: {  	s25 =	sadd.s32 $0x1, s25  }
0x9f: {  	p0 =	sne.s32 s25, s7  }
.Ltmp1:
0xa0: {  	_ = 	snop;
	(pc) =	sbr.rel @p0 .LBB2_1-.Ltmp1, $1  }
0xa1: {  	_ =	sdelay $0x3  }
0xa2: {  	_ =	sfence.sel $0x180000  }
0xa3: {  	[bflag:$0x0] =	sbarrier.arrive $0xFFFF  }
0xa4: {  	_ =	strace $0x90000047  }
0xa5: {  	[bflag:$0x2] =	sbarrier.arrive $0xFFFF  }
0xa6: {  	p0 =	sne.s32 s1, $0x0;
	s0 =	rddreg [dreg:$0x2]  }
0xa7: {  	s0 =	sadd.s32 @!p0 $0x100000, s0  }
0xa8: {  	[sflag:s0] =	ssyncadd.tile.s32 @!p0 $0x1;
	_ =	shalt  }
.Lfunc_end2:
_tile_overlayer_lowered:
.L_overlay_start_2:
0xa9: {  	(tag) =	ssettag $0x2  }
0xaa: {  	s0 =	rddreg [dreg:$0x0];
	s2 =	stileid.u32  }
0xab: {  	s1 =	rddreg [dreg:$0x1];
	p0 =	sne.s32 s2, $0x0  }
0xac: {  	s3 =	rddreg [dreg:$0x2];
	[bflag:$0x3] =	sbarrier.arrive $0xFFFF;
	s2 =	simm.s32 @!p0 $0x1C02  }
0xad: {  	[timem:s3], [sflag:s2] =	dma.local @!p0 [hbm:s0], s1  }
0xae: {  	s0 =	simm.s32 @!p0 $0x2  }
0xaf: {  	_ =	swait.ge @!p0 [sflag:s0], s1  }
0xb0: {  	s1 =	ssub.s32 @!p0 $0x0, s1;
	[sflag:s0] =	ssyncset.done @!p0 $0x0  }
0xb1: {  	[sflag:s0] =	ssyncadd.s32 @!p0 s1  }
0xb2: {  	[bflag:$0x3] =	sbarrier.arrive $0xFFFF  }
0xb3: {  	_ =	shalt  }

</sc_bundles>
